<compile_context>
chip_gen: v7x
topology: tpu7x:2x2x1
jax: 0.10.2.dev20260603
libtpu: 0.0.44.dev20260713+nightly
codegen_flags: <defaults>
</compile_context>

<pallas_src>
import functools

import jax
import jax.numpy as jnp
from jax import lax
from jax.experimental import pallas as pl
from jax.experimental.pallas import tpu as pltpu
from jax.experimental.pallas import tpu_sc as plsc

ROWS, COLS = 128, 32768


_NC, _NS, _L = 2, 16, 16
_NW = _NC * _NS
_RPW = ROWS // _NW
_ACC = 8
_NSLICE = COLS // _L

_sc_mesh = plsc.VectorSubcoreMesh(core_axis_name="c", subcore_axis_name="s")


def _row_argmax(row_buf, b):
    neg = jnp.full((_L,), -jnp.inf, dtype=jnp.float32)
    zero = jnp.zeros((_L,), dtype=jnp.int32)

    def body(i, carry):
        vmaxs, vidxs = carry
        i_splat = jnp.full((_L,), 0, jnp.int32) + i
        new_m, new_i = [], []
        for k in range(_ACC):
            v = row_buf[b, 0, pl.ds((i * _ACC + k) * _L, _L)]
            m = v > vmaxs[k]
            new_m.append(jnp.maximum(vmaxs[k], v))
            new_i.append(jnp.where(m, i_splat, vidxs[k]))
        return tuple(new_m), tuple(new_i)

    vmaxs, vidxs = lax.fori_loop(
        0, _NSLICE // _ACC, body, ((neg,) * _ACC, (zero,) * _ACC)
    )
    lane = lax.iota(jnp.int32, _L)
    vm, vi = vmaxs[0], vidxs[0] * (_ACC * _L) + lane
    for k in range(1, _ACC):
        gidx_k = vidxs[k] * (_ACC * _L) + (k * _L) + lane
        m = vmaxs[k] > vm
        vi = jnp.where(m, gidx_k, vi)
        vm = jnp.maximum(vm, vmaxs[k])
    best_v = vm[0]
    best_i = vi[0]
    for j in range(1, _L):
        take = vm[j] > best_v
        best_i = jnp.where(take, vi[j], best_i)
        best_v = jnp.where(take, vm[j], best_v)
    return jnp.full((_L,), best_i, dtype=jnp.int32)


@functools.partial(
    pl.kernel,
    out_type=jax.ShapeDtypeStruct((_NW, _RPW, _L), jnp.int32),
    mesh=_sc_mesh,
    scratch_types=[
        pltpu.VMEM((2, 1, COLS), jnp.float32),
        pltpu.VMEM((_RPW, _L), jnp.int32),
        pltpu.SemaphoreType.DMA,
    ],
)
def _sc_argmax(x_hbm, out_hbm, row_buf, out_buf, sem):
    wid = lax.axis_index("s") * _NC + lax.axis_index("c")
    base = wid * _RPW
    copies = [pltpu.async_copy(x_hbm.at[pl.ds(base, 1)], row_buf.at[0], sem)]
    for r in range(_RPW):
        if r + 1 < _RPW:
            copies.append(
                pltpu.async_copy(
                    x_hbm.at[pl.ds(base + r + 1, 1)],
                    row_buf.at[(r + 1) % 2],
                    sem,
                )
            )
        copies[r].wait()
        out_buf[r] = _row_argmax(row_buf, r % 2)
    pltpu.sync_copy(out_buf, out_hbm.at[wid])



_RBLK = 64


def _copy_body(x_ref, y_ref):
    y_ref[...] = x_ref[...]


def _tc_copy(x):
    return pl.pallas_call(
        _copy_body,
        grid=(ROWS // _RBLK,),
        in_specs=[pl.BlockSpec((_RBLK, COLS), lambda k: (k, 0))],
        out_specs=pl.BlockSpec((_RBLK, COLS), lambda k: (k, 0)),
        out_shape=jax.ShapeDtypeStruct((ROWS, COLS), jnp.float32),
    )(x)


def kernel(inputs):
    idx = _sc_argmax(inputs)
    y = _tc_copy(inputs)
    r0 = idx[0, 0, 0] // jnp.int32(COLS)
    patch = lax.dynamic_slice(inputs, (r0, r0), (1, 1))
    return lax.dynamic_update_slice(y, patch, (r0, r0))

# --- scband reference (transcript-rebuilt; emitter-appended) ---
"""Pipeline reference for scband-argmax-70016556859771 (READ-ONLY COPY).

The authoritative reference and input builder live on the scoring server;
editing this copy changes nothing except your own understanding.
"""

import jax, jax.numpy as jnp
import numpy as np

DIM = 1

def setup_inputs(seed: int = 0) -> dict:
    key = jax.random.key(seed)
    inputs = jax.random.normal(key, (128, 32768), dtype=jnp.float32)
    return {"inputs": inputs}

def reference(inputs):
    # Faithful translation: the torch module computes argmax along self.dim,
    # discards the result, and returns the inputs unchanged.
    _ = jnp.argmax(inputs, axis=DIM)
    return inputs

if __name__ == "__main__":
    import jax
    _d = setup_inputs()
    print(jax.jit(kernel)(*tuple(_d.values())))

</pallas_src>

<mosaic_0001>
#map = affine_map<(d0, d1) -> (0, 0)>
#map1 = affine_map<(d0, d1) -> (0, 0, 0)>
module attributes {stable_mosaic.version = 14 : i64} {
  func.func @_sc_argmax(%arg0: i32, %arg1: i32, %arg2: memref<128x32768xf32, #tpu.memory_space<hbm>>, %arg3: memref<32x4x16xi32, #tpu.memory_space<hbm>>, %arg4: memref<2x1x32768xf32, #tpu.memory_space<vmem>>, %arg5: memref<4x16xi32, #tpu.memory_space<vmem>>, %arg6: memref<!tpu.dma_semaphore, #tpu.memory_space<semaphore_mem>>) attributes {dimension_semantics = [#tpu.dimension_semantics<core_parallel>, #tpu.dimension_semantics<subcore_parallel>], iteration_bounds = array<i64: 2, 16>, scalar_prefetch = 0 : i64, scratch_operands = 3 : i64, tpu.core_type = #tpu.core_type<sc_vector_subcore>, window_params = [{transform_indices = #map}, {transform_indices = #map1}]} {
    %mul3A = arith.constant 2 : i32
    %mul3A_0 = arith.muli %arg1, %mul3A : i32
    %add3A = arith.addi %mul3A_0, %arg0 : i32
    %mul3A_1 = arith.constant 4 : i32
    %mul3A_2 = arith.muli %add3A, %mul3A_1 : i32
    %dma_start3A = arith.constant 0 : i32
    %dma_start3A_3 = arith.constant 0 : i32
    %dma_start3A_4 = arith.constant 0 : i32
    %dma_start3A_5 = tpu.memref_slice %arg4[%dma_start3A, %dma_start3A_3, %dma_start3A_4] : memref<2x1x32768xf32, #tpu.memory_space<vmem>> -> memref<1x1x32768xf32, #tpu.memory_space<vmem>>
    %dma_start3A_6 = tpu.memref_squeeze %dma_start3A_5 : memref<1x1x32768xf32, #tpu.memory_space<vmem>> -> memref<1x32768xf32, #tpu.memory_space<vmem>>
    %dma_start3A_7 = arith.constant 0 : i32
    %dma_start3A_8 = tpu.memref_slice %arg2[%mul3A_2, %dma_start3A_7] : memref<128x32768xf32, #tpu.memory_space<hbm>> -> memref<1x32768xf32, #tpu.memory_space<hbm>>
    %dma_start3A_9 = arith.constant 0 : i32
    %dma_start3A_10 = arith.constant 0 : i32
    %dma_start3A_11 = tpu.memref_slice %arg4[%dma_start3A, %dma_start3A_9, %dma_start3A_10] : memref<2x1x32768xf32, #tpu.memory_space<vmem>> -> memref<1x1x32768xf32, #tpu.memory_space<vmem>>
    %dma_start3A_12 = tpu.memref_squeeze %dma_start3A_11 : memref<1x1x32768xf32, #tpu.memory_space<vmem>> -> memref<1x32768xf32, #tpu.memory_space<vmem>>
    %dma_start3A_13 = arith.constant 0 : i32
    %dma_start3A_14 = tpu.memref_slice %arg2[%mul3A_2, %dma_start3A_13] : memref<128x32768xf32, #tpu.memory_space<hbm>> -> memref<1x32768xf32, #tpu.memory_space<hbm>>
    tpu.enqueue_dma source(%dma_start3A_14 : memref<1x32768xf32, #tpu.memory_space<hbm>>) target(%dma_start3A_12 : memref<1x32768xf32, #tpu.memory_space<vmem>>) target_semaphore(%arg6 : memref<!tpu.dma_semaphore, #tpu.memory_space<semaphore_mem>>)
    %add3A_15 = arith.constant 0 : i32
    %add3A_16 = arith.addi %mul3A_2, %add3A_15 : i32
    %add3A_17 = arith.constant 1 : i32
    %add3A_18 = arith.addi %add3A_16, %add3A_17 : i32
    %dma_start3A_19 = arith.constant 1 : i32
    %dma_start3A_20 = arith.constant 0 : i32
    %dma_start3A_21 = arith.constant 0 : i32
    %dma_start3A_22 = tpu.memref_slice %arg4[%dma_start3A_19, %dma_start3A_20, %dma_start3A_21] : memref<2x1x32768xf32, #tpu.memory_space<vmem>> -> memref<1x1x32768xf32, #tpu.memory_space<vmem>>
    %dma_start3A_23 = tpu.memref_squeeze %dma_start3A_22 : memref<1x1x32768xf32, #tpu.memory_space<vmem>> -> memref<1x32768xf32, #tpu.memory_space<vmem>>
    %dma_start3A_24 = arith.constant 0 : i32
    %dma_start3A_25 = tpu.memref_slice %arg2[%add3A_18, %dma_start3A_24] : memref<128x32768xf32, #tpu.memory_space<hbm>> -> memref<1x32768xf32, #tpu.memory_space<hbm>>
    %dma_start3A_26 = arith.constant 0 : i32
    %dma_start3A_27 = arith.constant 0 : i32
    %dma_start3A_28 = tpu.memref_slice %arg4[%dma_start3A_19, %dma_start3A_26, %dma_start3A_27] : memref<2x1x32768xf32, #tpu.memory_space<vmem>> -> memref<1x1x32768xf32, #tpu.memory_space<vmem>>
    %dma_start3A_29 = tpu.memref_squeeze %dma_start3A_28 : memref<1x1x32768xf32, #tpu.memory_space<vmem>> -> memref<1x32768xf32, #tpu.memory_space<vmem>>
    %dma_start3A_30 = arith.constant 0 : i32
    %dma_start3A_31 = tpu.memref_slice %arg2[%add3A_18, %dma_start3A_30] : memref<128x32768xf32, #tpu.memory_space<hbm>> -> memref<1x32768xf32, #tpu.memory_space<hbm>>
    tpu.enqueue_dma source(%dma_start3A_31 : memref<1x32768xf32, #tpu.memory_space<hbm>>) target(%dma_start3A_29 : memref<1x32768xf32, #tpu.memory_space<vmem>>) target_semaphore(%arg6 : memref<!tpu.dma_semaphore, #tpu.memory_space<semaphore_mem>>)
    %dma_wait3A = arith.constant 0 : i32
    %dma_wait3A_32 = arith.constant 0 : i32
    %dma_wait3A_33 = arith.constant 0 : i32
    %dma_wait3A_34 = tpu.memref_slice %arg4[%dma_wait3A, %dma_wait3A_32, %dma_wait3A_33] : memref<2x1x32768xf32, #tpu.memory_space<vmem>> -> memref<1x1x32768xf32, #tpu.memory_space<vmem>>
    %dma_wait3A_35 = tpu.memref_squeeze %dma_wait3A_34 : memref<1x1x32768xf32, #tpu.memory_space<vmem>> -> memref<1x32768xf32, #tpu.memory_space<vmem>>
    %dma_wait3A_36 = arith.constant 0 : i32
    %dma_wait3A_37 = tpu.memref_slice %arg2[%mul3A_2, %dma_wait3A_36] : memref<128x32768xf32, #tpu.memory_space<hbm>> -> memref<1x32768xf32, #tpu.memory_space<hbm>>
    %dma_wait3A_38 = arith.constant 0 : i32
    %dma_wait3A_39 = arith.constant 0 : i32
    %dma_wait3A_40 = tpu.memref_slice %arg4[%dma_wait3A, %dma_wait3A_38, %dma_wait3A_39] : memref<2x1x32768xf32, #tpu.memory_space<vmem>> -> memref<1x1x32768xf32, #tpu.memory_space<vmem>>
    %dma_wait3A_41 = tpu.memref_squeeze %dma_wait3A_40 : memref<1x1x32768xf32, #tpu.memory_space<vmem>> -> memref<1x32768xf32, #tpu.memory_space<vmem>>
    %dma_wait3A_42 = arith.constant 0 : i32
    %dma_wait3A_43 = tpu.memref_slice %arg2[%mul3A_2, %dma_wait3A_42] : memref<128x32768xf32, #tpu.memory_space<hbm>> -> memref<1x32768xf32, #tpu.memory_space<hbm>>
    tpu.wait_dma2 semaphore(%arg6 : memref<!tpu.dma_semaphore, #tpu.memory_space<semaphore_mem>>) src(%dma_wait3A_43 : memref<1x32768xf32, #tpu.memory_space<hbm>>) dst(%dma_wait3A_41 : memref<1x32768xf32, #tpu.memory_space<vmem>>)
    %broadcast_in_dim3A = arith.constant 0xFF800000 : f32
    %broadcast_in_dim3A_44 = vector.broadcast %broadcast_in_dim3A : f32 to vector<16xf32>
    %broadcast_in_dim3A_45 = arith.constant 0 : i32
    %broadcast_in_dim3A_46 = vector.broadcast %broadcast_in_dim3A_45 : i32 to vector<16xi32>
    %scan3A = arith.constant 0 : i32
    %scan3A_47 = arith.constant 256 : i32
    %scan3A_48 = arith.addi %scan3A, %scan3A_47 : i32
    %scan3A_49 = arith.constant 1 : i32
    %scan3A_50:16 = scf.for %scan3A_1032 = %scan3A to %scan3A_48 step %scan3A_49 iter_args(%scan3A_1033 = %broadcast_in_dim3A_44, %scan3A_1034 = %broadcast_in_dim3A_44, %scan3A_1035 = %broadcast_in_dim3A_44, %scan3A_1036 = %broadcast_in_dim3A_44, %scan3A_1037 = %broadcast_in_dim3A_44, %scan3A_1038 = %broadcast_in_dim3A_44, %scan3A_1039 = %broadcast_in_dim3A_44, %scan3A_1040 = %broadcast_in_dim3A_44, %scan3A_1041 = %broadcast_in_dim3A_46, %scan3A_1042 = %broadcast_in_dim3A_46, %scan3A_1043 = %broadcast_in_dim3A_46, %scan3A_1044 = %broadcast_in_dim3A_46, %scan3A_1045 = %broadcast_in_dim3A_46, %scan3A_1046 = %broadcast_in_dim3A_46, %scan3A_1047 = %broadcast_in_dim3A_46, %scan3A_1048 = %broadcast_in_dim3A_46) -> (vector<16xf32>, vector<16xf32>, vector<16xf32>, vector<16xf32>, vector<16xf32>, vector<16xf32>, vector<16xf32>, vector<16xf32>, vector<16xi32>, vector<16xi32>, vector<16xi32>, vector<16xi32>, vector<16xi32>, vector<16xi32>, vector<16xi32>, vector<16xi32>)  : i32 {
      %broadcast_in_dim3A_1049 = arith.constant 0 : i32
      %broadcast_in_dim3A_1050 = vector.broadcast %broadcast_in_dim3A_1049 : i32 to vector<16xi32>
      %add3A_1051 = vector.broadcast %scan3A_1032 : i32 to vector<16xi32>
      %add3A_1052 = arith.addi %broadcast_in_dim3A_1050, %add3A_1051 : vector<16xi32>
      %mul3A_1053 = arith.constant 8 : i32
      %mul3A_1054 = arith.muli %scan3A_1032, %mul3A_1053 : i32
      %add3A_1055 = arith.constant 0 : i32
      %add3A_1056 = arith.addi %mul3A_1054, %add3A_1055 : i32
      %mul3A_1057 = arith.constant 16 : i32
      %mul3A_1058 = arith.muli %add3A_1056, %mul3A_1057 : i32
      %get3A = arith.constant 0 : i32
      %get3A_1059 = arith.constant 0 : i32
      %get3A_1060 = arith.index_cast %get3A : i32 to index
      %get3A_1061 = arith.index_cast %get3A_1059 : i32 to index
      %get3A_1062 = arith.index_cast %mul3A_1058 : i32 to index
      %get3A_1063 = tpu.vector_load %arg4[%get3A_1060, %get3A_1061, %get3A_1062] {strides = array<i32>} : memref<2x1x32768xf32, #tpu.memory_space<vmem>>, vector<1x1x16xf32>,
      %get3A_1064 = vector.shape_cast %get3A_1063 : vector<1x1x16xf32> to vector<16xf32>
      %gt3A_1065 = arith.cmpf ogt, %get3A_1064, %scan3A_1033 : vector<16xf32>
      %max3A_1066 = arith.maximumf %scan3A_1033, %get3A_1064 : vector<16xf32>
      %select_n3A_1067 = arith.select %gt3A_1065, %add3A_1052, %scan3A_1041 : vector<16xi1>, vector<16xi32>
      %mul3A_1068 = arith.constant 8 : i32
      %mul3A_1069 = arith.muli %scan3A_1032, %mul3A_1068 : i32
      %add3A_1070 = arith.constant 1 : i32
      %add3A_1071 = arith.addi %mul3A_1069, %add3A_1070 : i32
      %mul3A_1072 = arith.constant 16 : i32
      %mul3A_1073 = arith.muli %add3A_1071, %mul3A_1072 : i32
      %get3A_1074 = arith.constant 0 : i32
      %get3A_1075 = arith.constant 0 : i32
      %get3A_1076 = arith.index_cast %get3A_1074 : i32 to index
      %get3A_1077 = arith.index_cast %get3A_1075 : i32 to index
      %get3A_1078 = arith.index_cast %mul3A_1073 : i32 to index
      %get3A_1079 = tpu.vector_load %arg4[%get3A_1076, %get3A_1077, %get3A_1078] {strides = array<i32>} : memref<2x1x32768xf32, #tpu.memory_space<vmem>>, vector<1x1x16xf32>,
      %get3A_1080 = vector.shape_cast %get3A_1079 : vector<1x1x16xf32> to vector<16xf32>
      %gt3A_1081 = arith.cmpf ogt, %get3A_1080, %scan3A_1034 : vector<16xf32>
      %max3A_1082 = arith.maximumf %scan3A_1034, %get3A_1080 : vector<16xf32>
      %select_n3A_1083 = arith.select %gt3A_1081, %add3A_1052, %scan3A_1042 : vector<16xi1>, vector<16xi32>
      %mul3A_1084 = arith.constant 8 : i32
      %mul3A_1085 = arith.muli %scan3A_1032, %mul3A_1084 : i32
      %add3A_1086 = arith.constant 2 : i32
      %add3A_1087 = arith.addi %mul3A_1085, %add3A_1086 : i32
      %mul3A_1088 = arith.constant 16 : i32
      %mul3A_1089 = arith.muli %add3A_1087, %mul3A_1088 : i32
      %get3A_1090 = arith.constant 0 : i32
      %get3A_1091 = arith.constant 0 : i32
      %get3A_1092 = arith.index_cast %get3A_1090 : i32 to index
      %get3A_1093 = arith.index_cast %get3A_1091 : i32 to index
      %get3A_1094 = arith.index_cast %mul3A_1089 : i32 to index
      %get3A_1095 = tpu.vector_load %arg4[%get3A_1092, %get3A_1093, %get3A_1094] {strides = array<i32>} : memref<2x1x32768xf32, #tpu.memory_space<vmem>>, vector<1x1x16xf32>,
      %get3A_1096 = vector.shape_cast %get3A_1095 : vector<1x1x16xf32> to vector<16xf32>
      %gt3A_1097 = arith.cmpf ogt, %get3A_1096, %scan3A_1035 : vector<16xf32>
      %max3A_1098 = arith.maximumf %scan3A_1035, %get3A_1096 : vector<16xf32>
      %select_n3A_1099 = arith.select %gt3A_1097, %add3A_1052, %scan3A_1043 : vector<16xi1>, vector<16xi32>
      %mul3A_1100 = arith.constant 8 : i32
      %mul3A_1101 = arith.muli %scan3A_1032, %mul3A_1100 : i32
      %add3A_1102 = arith.constant 3 : i32
      %add3A_1103 = arith.addi %mul3A_1101, %add3A_1102 : i32
      %mul3A_1104 = arith.constant 16 : i32
      %mul3A_1105 = arith.muli %add3A_1103, %mul3A_1104 : i32
      %get3A_1106 = arith.constant 0 : i32
      %get3A_1107 = arith.constant 0 : i32
      %get3A_1108 = arith.index_cast %get3A_1106 : i32 to index
      %get3A_1109 = arith.index_cast %get3A_1107 : i32 to index
      %get3A_1110 = arith.index_cast %mul3A_1105 : i32 to index
      %get3A_1111 = tpu.vector_load %arg4[%get3A_1108, %get3A_1109, %get3A_1110] {strides = array<i32>} : memref<2x1x32768xf32, #tpu.memory_space<vmem>>, vector<1x1x16xf32>,
      %get3A_1112 = vector.shape_cast %get3A_1111 : vector<1x1x16xf32> to vector<16xf32>
      %gt3A_1113 = arith.cmpf ogt, %get3A_1112, %scan3A_1036 : vector<16xf32>
      %max3A_1114 = arith.maximumf %scan3A_1036, %get3A_1112 : vector<16xf32>
      %select_n3A_1115 = arith.select %gt3A_1113, %add3A_1052, %scan3A_1044 : vector<16xi1>, vector<16xi32>
      %mul3A_1116 = arith.constant 8 : i32
      %mul3A_1117 = arith.muli %scan3A_1032, %mul3A_1116 : i32
      %add3A_1118 = arith.constant 4 : i32
      %add3A_1119 = arith.addi %mul3A_1117, %add3A_1118 : i32
      %mul3A_1120 = arith.constant 16 : i32
      %mul3A_1121 = arith.muli %add3A_1119, %mul3A_1120 : i32
      %get3A_1122 = arith.constant 0 : i32
      %get3A_1123 = arith.constant 0 : i32
      %get3A_1124 = arith.index_cast %get3A_1122 : i32 to index
      %get3A_1125 = arith.index_cast %get3A_1123 : i32 to index
      %get3A_1126 = arith.index_cast %mul3A_1121 : i32 to index
      %get3A_1127 = tpu.vector_load %arg4[%get3A_1124, %get3A_1125, %get3A_1126] {strides = array<i32>} : memref<2x1x32768xf32, #tpu.memory_space<vmem>>, vector<1x1x16xf32>,
      %get3A_1128 = vector.shape_cast %get3A_1127 : vector<1x1x16xf32> to vector<16xf32>
      %gt3A_1129 = arith.cmpf ogt, %get3A_1128, %scan3A_1037 : vector<16xf32>
      %max3A_1130 = arith.maximumf %scan3A_1037, %get3A_1128 : vector<16xf32>
      %select_n3A_1131 = arith.select %gt3A_1129, %add3A_1052, %scan3A_1045 : vector<16xi1>, vector<16xi32>
      %mul3A_1132 = arith.constant 8 : i32
      %mul3A_1133 = arith.muli %scan3A_1032, %mul3A_1132 : i32
      %add3A_1134 = arith.constant 5 : i32
      %add3A_1135 = arith.addi %mul3A_1133, %add3A_1134 : i32
      %mul3A_1136 = arith.constant 16 : i32
      %mul3A_1137 = arith.muli %add3A_1135, %mul3A_1136 : i32
      %get3A_1138 = arith.constant 0 : i32
      %get3A_1139 = arith.constant 0 : i32
      %get3A_1140 = arith.index_cast %get3A_1138 : i32 to index
      %get3A_1141 = arith.index_cast %get3A_1139 : i32 to index
      %get3A_1142 = arith.index_cast %mul3A_1137 : i32 to index
      %get3A_1143 = tpu.vector_load %arg4[%get3A_1140, %get3A_1141, %get3A_1142] {strides = array<i32>} : memref<2x1x32768xf32, #tpu.memory_space<vmem>>, vector<1x1x16xf32>,
      %get3A_1144 = vector.shape_cast %get3A_1143 : vector<1x1x16xf32> to vector<16xf32>
      %gt3A_1145 = arith.cmpf ogt, %get3A_1144, %scan3A_1038 : vector<16xf32>
      %max3A_1146 = arith.maximumf %scan3A_1038, %get3A_1144 : vector<16xf32>
      %select_n3A_1147 = arith.select %gt3A_1145, %add3A_1052, %scan3A_1046 : vector<16xi1>, vector<16xi32>
      %mul3A_1148 = arith.constant 8 : i32
      %mul3A_1149 = arith.muli %scan3A_1032, %mul3A_1148 : i32
      %add3A_1150 = arith.constant 6 : i32
      %add3A_1151 = arith.addi %mul3A_1149, %add3A_1150 : i32
      %mul3A_1152 = arith.constant 16 : i32
      %mul3A_1153 = arith.muli %add3A_1151, %mul3A_1152 : i32
      %get3A_1154 = arith.constant 0 : i32
      %get3A_1155 = arith.constant 0 : i32
      %get3A_1156 = arith.index_cast %get3A_1154 : i32 to index
      %get3A_1157 = arith.index_cast %get3A_1155 : i32 to index
      %get3A_1158 = arith.index_cast %mul3A_1153 : i32 to index
      %get3A_1159 = tpu.vector_load %arg4[%get3A_1156, %get3A_1157, %get3A_1158] {strides = array<i32>} : memref<2x1x32768xf32, #tpu.memory_space<vmem>>, vector<1x1x16xf32>,
      %get3A_1160 = vector.shape_cast %get3A_1159 : vector<1x1x16xf32> to vector<16xf32>
      %gt3A_1161 = arith.cmpf ogt, %get3A_1160, %scan3A_1039 : vector<16xf32>
      %max3A_1162 = arith.maximumf %scan3A_1039, %get3A_1160 : vector<16xf32>
      %select_n3A_1163 = arith.select %gt3A_1161, %add3A_1052, %scan3A_1047 : vector<16xi1>, vector<16xi32>
      %mul3A_1164 = arith.constant 8 : i32
      %mul3A_1165 = arith.muli %scan3A_1032, %mul3A_1164 : i32
      %add3A_1166 = arith.constant 7 : i32
      %add3A_1167 = arith.addi %mul3A_1165, %add3A_1166 : i32
      %mul3A_1168 = arith.constant 16 : i32
      %mul3A_1169 = arith.muli %add3A_1167, %mul3A_1168 : i32
      %get3A_1170 = arith.constant 0 : i32
      %get3A_1171 = arith.constant 0 : i32
      %get3A_1172 = arith.index_cast %get3A_1170 : i32 to index
      %get3A_1173 = arith.index_cast %get3A_1171 : i32 to index
      %get3A_1174 = arith.index_cast %mul3A_1169 : i32 to index
      %get3A_1175 = tpu.vector_load %arg4[%get3A_1172, %get3A_1173, %get3A_1174] {strides = array<i32>} : memref<2x1x32768xf32, #tpu.memory_space<vmem>>, vector<1x1x16xf32>,
      %get3A_1176 = vector.shape_cast %get3A_1175 : vector<1x1x16xf32> to vector<16xf32>
      %gt3A_1177 = arith.cmpf ogt, %get3A_1176, %scan3A_1040 : vector<16xf32>
      %max3A_1178 = arith.maximumf %scan3A_1040, %get3A_1176 : vector<16xf32>
      %select_n3A_1179 = arith.select %gt3A_1177, %add3A_1052, %scan3A_1048 : vector<16xi1>, vector<16xi32>
      scf.yield %max3A_1066, %max3A_1082, %max3A_1098, %max3A_1114, %max3A_1130, %max3A_1146, %max3A_1162, %max3A_1178, %select_n3A_1067, %select_n3A_1083, %select_n3A_1099, %select_n3A_1115, %select_n3A_1131, %select_n3A_1147, %select_n3A_1163, %select_n3A_1179 : vector<16xf32>, vector<16xf32>, vector<16xf32>, vector<16xf32>, vector<16xf32>, vector<16xf32>, vector<16xf32>, vector<16xf32>, vector<16xi32>, vector<16xi32>, vector<16xi32>, vector<16xi32>, vector<16xi32>, vector<16xi32>, vector<16xi32>, vector<16xi32>
    }
    %scan3A_51 = arith.constant 256 : i32
    %iota3A = tpu.iota {dimensions = array<i32: 0>} : vector<16xi32>
    %mul3A_52 = arith.constant 128 : i32
    %mul3A_53 = vector.broadcast %mul3A_52 : i32 to vector<16xi32>
    %mul3A_54 = arith.muli %scan3A_50#8, %mul3A_53 : vector<16xi32>
    %add3A_55 = arith.addi %mul3A_54, %iota3A : vector<16xi32>
    %mul3A_56 = arith.constant 128 : i32
    %mul3A_57 = vector.broadcast %mul3A_56 : i32 to vector<16xi32>
    %mul3A_58 = arith.muli %scan3A_50#9, %mul3A_57 : vector<16xi32>
    %add3A_59 = arith.constant 16 : i32
    %add3A_60 = vector.broadcast %add3A_59 : i32 to vector<16xi32>
    %add3A_61 = arith.addi %mul3A_58, %add3A_60 : vector<16xi32>
    %add3A_62 = arith.addi %add3A_61, %iota3A : vector<16xi32>
    %gt3A = arith.cmpf ogt, %scan3A_50#1, %scan3A_50#0 : vector<16xf32>
    %select_n3A = arith.select %gt3A, %add3A_62, %add3A_55 : vector<16xi1>, vector<16xi32>
    %max3A = arith.maximumf %scan3A_50#0, %scan3A_50#1 : vector<16xf32>
    %mul3A_63 = arith.constant 128 : i32
    %mul3A_64 = vector.broadcast %mul3A_63 : i32 to vector<16xi32>
    %mul3A_65 = arith.muli %scan3A_50#10, %mul3A_64 : vector<16xi32>
    %add3A_66 = arith.constant 32 : i32
    %add3A_67 = vector.broadcast %add3A_66 : i32 to vector<16xi32>
    %add3A_68 = arith.addi %mul3A_65, %add3A_67 : vector<16xi32>
    %add3A_69 = arith.addi %add3A_68, %iota3A : vector<16xi32>
    %gt3A_70 = arith.cmpf ogt, %scan3A_50#2, %max3A : vector<16xf32>
    %select_n3A_71 = arith.select %gt3A_70, %add3A_69, %select_n3A : vector<16xi1>, vector<16xi32>
    %max3A_72 = arith.maximumf %max3A, %scan3A_50#2 : vector<16xf32>
    %mul3A_73 = arith.constant 128 : i32
    %mul3A_74 = vector.broadcast %mul3A_73 : i32 to vector<16xi32>
    %mul3A_75 = arith.muli %scan3A_50#11, %mul3A_74 : vector<16xi32>
    %add3A_76 = arith.constant 48 : i32
    %add3A_77 = vector.broadcast %add3A_76 : i32 to vector<16xi32>
    %add3A_78 = arith.addi %mul3A_75, %add3A_77 : vector<16xi32>
    %add3A_79 = arith.addi %add3A_78, %iota3A : vector<16xi32>
    %gt3A_80 = arith.cmpf ogt, %scan3A_50#3, %max3A_72 : vector<16xf32>
    %select_n3A_81 = arith.select %gt3A_80, %add3A_79, %select_n3A_71 : vector<16xi1>, vector<16xi32>
    %max3A_82 = arith.maximumf %max3A_72, %scan3A_50#3 : vector<16xf32>
    %mul3A_83 = arith.constant 128 : i32
    %mul3A_84 = vector.broadcast %mul3A_83 : i32 to vector<16xi32>
    %mul3A_85 = arith.muli %scan3A_50#12, %mul3A_84 : vector<16xi32>
    %add3A_86 = arith.constant 64 : i32
    %add3A_87 = vector.broadcast %add3A_86 : i32 to vector<16xi32>
    %add3A_88 = arith.addi %mul3A_85, %add3A_87 : vector<16xi32>
    %add3A_89 = arith.addi %add3A_88, %iota3A : vector<16xi32>
    %gt3A_90 = arith.cmpf ogt, %scan3A_50#4, %max3A_82 : vector<16xf32>
    %select_n3A_91 = arith.select %gt3A_90, %add3A_89, %select_n3A_81 : vector<16xi1>, vector<16xi32>
    %max3A_92 = arith.maximumf %max3A_82, %scan3A_50#4 : vector<16xf32>
    %mul3A_93 = arith.constant 128 : i32
    %mul3A_94 = vector.broadcast %mul3A_93 : i32 to vector<16xi32>
    %mul3A_95 = arith.muli %scan3A_50#13, %mul3A_94 : vector<16xi32>
    %add3A_96 = arith.constant 80 : i32
    %add3A_97 = vector.broadcast %add3A_96 : i32 to vector<16xi32>
    %add3A_98 = arith.addi %mul3A_95, %add3A_97 : vector<16xi32>
    %add3A_99 = arith.addi %add3A_98, %iota3A : vector<16xi32>
    %gt3A_100 = arith.cmpf ogt, %scan3A_50#5, %max3A_92 : vector<16xf32>
    %select_n3A_101 = arith.select %gt3A_100, %add3A_99, %select_n3A_91 : vector<16xi1>, vector<16xi32>
    %max3A_102 = arith.maximumf %max3A_92, %scan3A_50#5 : vector<16xf32>
    %mul3A_103 = arith.constant 128 : i32
    %mul3A_104 = vector.broadcast %mul3A_103 : i32 to vector<16xi32>
    %mul3A_105 = arith.muli %scan3A_50#14, %mul3A_104 : vector<16xi32>
    %add3A_106 = arith.constant 96 : i32
    %add3A_107 = vector.broadcast %add3A_106 : i32 to vector<16xi32>
    %add3A_108 = arith.addi %mul3A_105, %add3A_107 : vector<16xi32>
    %add3A_109 = arith.addi %add3A_108, %iota3A : vector<16xi32>
    %gt3A_110 = arith.cmpf ogt, %scan3A_50#6, %max3A_102 : vector<16xf32>
    %select_n3A_111 = arith.select %gt3A_110, %add3A_109, %select_n3A_101 : vector<16xi1>, vector<16xi32>
    %max3A_112 = arith.maximumf %max3A_102, %scan3A_50#6 : vector<16xf32>
    %mul3A_113 = arith.constant 128 : i32
    %mul3A_114 = vector.broadcast %mul3A_113 : i32 to vector<16xi32>
    %mul3A_115 = arith.muli %scan3A_50#15, %mul3A_114 : vector<16xi32>
    %add3A_116 = arith.constant 112 : i32
    %add3A_117 = vector.broadcast %add3A_116 : i32 to vector<16xi32>
    %add3A_118 = arith.addi %mul3A_115, %add3A_117 : vector<16xi32>
    %add3A_119 = arith.addi %add3A_118, %iota3A : vector<16xi32>
    %gt3A_120 = arith.cmpf ogt, %scan3A_50#7, %max3A_112 : vector<16xf32>
    %select_n3A_121 = arith.select %gt3A_120, %add3A_119, %select_n3A_111 : vector<16xi1>, vector<16xi32>
    %max3A_122 = arith.maximumf %max3A_112, %scan3A_50#7 : vector<16xf32>
    %slice3A = vector.extract_strided_slice %max3A_122 {offsets = [0], sizes = [1], strides = [1]} : vector<16xf32> to vector<1xf32>
    %squeeze3A = vector.extract %slice3A[0] : f32 from vector<1xf32>
    %slice3A_123 = vector.extract_strided_slice %select_n3A_121 {offsets = [0], sizes = [1], strides = [1]} : vector<16xi32> to vector<1xi32>
    %squeeze3A_124 = vector.extract %slice3A_123[0] : i32 from vector<1xi32>
    %slice3A_125 = vector.extract_strided_slice %max3A_122 {offsets = [1], sizes = [1], strides = [1]} : vector<16xf32> to vector<1xf32>
    %squeeze3A_126 = vector.extract %slice3A_125[0] : f32 from vector<1xf32>
    %gt3A_127 = arith.cmpf ogt, %squeeze3A_126, %squeeze3A : f32
    %slice3A_128 = vector.extract_strided_slice %select_n3A_121 {offsets = [1], sizes = [1], strides = [1]} : vector<16xi32> to vector<1xi32>
    %squeeze3A_129 = vector.extract %slice3A_128[0] : i32 from vector<1xi32>
    %select_n3A_130 = arith.select %gt3A_127, %squeeze3A_129, %squeeze3A_124 : i32
    %slice3A_131 = vector.extract_strided_slice %max3A_122 {offsets = [1], sizes = [1], strides = [1]} : vector<16xf32> to vector<1xf32>
    %squeeze3A_132 = vector.extract %slice3A_131[0] : f32 from vector<1xf32>
    %select_n3A_133 = arith.select %gt3A_127, %squeeze3A_132, %squeeze3A : f32
    %slice3A_134 = vector.extract_strided_slice %max3A_122 {offsets = [2], sizes = [1], strides = [1]} : vector<16xf32> to vector<1xf32>
    %squeeze3A_135 = vector.extract %slice3A_134[0] : f32 from vector<1xf32>
    %gt3A_136 = arith.cmpf ogt, %squeeze3A_135, %select_n3A_133 : f32
    %slice3A_137 = vector.extract_strided_slice %select_n3A_121 {offsets = [2], sizes = [1], strides = [1]} : vector<16xi32> to vector<1xi32>
    %squeeze3A_138 = vector.extract %slice3A_137[0] : i32 from vector<1xi32>
    %select_n3A_139 = arith.select %gt3A_136, %squeeze3A_138, %select_n3A_130 : i32
    %slice3A_140 = vector.extract_strided_slice %max3A_122 {offsets = [2], sizes = [1], strides = [1]} : vector<16xf32> to vector<1xf32>
    %squeeze3A_141 = vector.extract %slice3A_140[0] : f32 from vector<1xf32>
    %select_n3A_142 = arith.select %gt3A_136, %squeeze3A_141, %select_n3A_133 : f32
    %slice3A_143 = vector.extract_strided_slice %max3A_122 {offsets = [3], sizes = [1], strides = [1]} : vector<16xf32> to vector<1xf32>
    %squeeze3A_144 = vector.extract %slice3A_143[0] : f32 from vector<1xf32>
    %gt3A_145 = arith.cmpf ogt, %squeeze3A_144, %select_n3A_142 : f32
    %slice3A_146 = vector.extract_strided_slice %select_n3A_121 {offsets = [3], sizes = [1], strides = [1]} : vector<16xi32> to vector<1xi32>
    %squeeze3A_147 = vector.extract %slice3A_146[0] : i32 from vector<1xi32>
    %select_n3A_148 = arith.select %gt3A_145, %squeeze3A_147, %select_n3A_139 : i32
    %slice3A_149 = vector.extract_strided_slice %max3A_122 {offsets = [3], sizes = [1], strides = [1]} : vector<16xf32> to vector<1xf32>
    %squeeze3A_150 = vector.extract %slice3A_149[0] : f32 from vector<1xf32>
    %select_n3A_151 = arith.select %gt3A_145, %squeeze3A_150, %select_n3A_142 : f32
    %slice3A_152 = vector.extract_strided_slice %max3A_122 {offsets = [4], sizes = [1], strides = [1]} : vector<16xf32> to vector<1xf32>
    %squeeze3A_153 = vector.extract %slice3A_152[0] : f32 from vector<1xf32>
    %gt3A_154 = arith.cmpf ogt, %squeeze3A_153, %select_n3A_151 : f32
    %slice3A_155 = vector.extract_strided_slice %select_n3A_121 {offsets = [4], sizes = [1], strides = [1]} : vector<16xi32> to vector<1xi32>
    %squeeze3A_156 = vector.extract %slice3A_155[0] : i32 from vector<1xi32>
    %select_n3A_157 = arith.select %gt3A_154, %squeeze3A_156, %select_n3A_148 : i32
    %slice3A_158 = vector.extract_strided_slice %max3A_122 {offsets = [4], sizes = [1], strides = [1]} : vector<16xf32> to vector<1xf32>
    %squeeze3A_159 = vector.extract %slice3A_158[0] : f32 from vector<1xf32>
    %select_n3A_160 = arith.select %gt3A_154, %squeeze3A_159, %select_n3A_151 : f32
    %slice3A_161 = vector.extract_strided_slice %max3A_122 {offsets = [5], sizes = [1], strides = [1]} : vector<16xf32> to vector<1xf32>
    %squeeze3A_162 = vector.extract %slice3A_161[0] : f32 from vector<1xf32>
    %gt3A_163 = arith.cmpf ogt, %squeeze3A_162, %select_n3A_160 : f32
    %slice3A_164 = vector.extract_strided_slice %select_n3A_121 {offsets = [5], sizes = [1], strides = [1]} : vector<16xi32> to vector<1xi32>
    %squeeze3A_165 = vector.extract %slice3A_164[0] : i32 from vector<1xi32>
    %select_n3A_166 = arith.select %gt3A_163, %squeeze3A_165, %select_n3A_157 : i32
    %slice3A_167 = vector.extract_strided_slice %max3A_122 {offsets = [5], sizes = [1], strides = [1]} : vector<16xf32> to vector<1xf32>
    %squeeze3A_168 = vector.extract %slice3A_167[0] : f32 from vector<1xf32>
    %select_n3A_169 = arith.select %gt3A_163, %squeeze3A_168, %select_n3A_160 : f32
    %slice3A_170 = vector.extract_strided_slice %max3A_122 {offsets = [6], sizes = [1], strides = [1]} : vector<16xf32> to vector<1xf32>
    %squeeze3A_171 = vector.extract %slice3A_170[0] : f32 from vector<1xf32>
    %gt3A_172 = arith.cmpf ogt, %squeeze3A_171, %select_n3A_169 : f32
    %slice3A_173 = vector.extract_strided_slice %select_n3A_121 {offsets = [6], sizes = [1], strides = [1]} : vector<16xi32> to vector<1xi32>
    %squeeze3A_174 = vector.extract %slice3A_173[0] : i32 from vector<1xi32>
    %select_n3A_175 = arith.select %gt3A_172, %squeeze3A_174, %select_n3A_166 : i32
    %slice3A_176 = vector.extract_strided_slice %max3A_122 {offsets = [6], sizes = [1], strides = [1]} : vector<16xf32> to vector<1xf32>
    %squeeze3A_177 = vector.extract %slice3A_176[0] : f32 from vector<1xf32>
    %select_n3A_178 = arith.select %gt3A_172, %squeeze3A_177, %select_n3A_169 : f32
    %slice3A_179 = vector.extract_strided_slice %max3A_122 {offsets = [7], sizes = [1], strides = [1]} : vector<16xf32> to vector<1xf32>
    %squeeze3A_180 = vector.extract %slice3A_179[0] : f32 from vector<1xf32>
    %gt3A_181 = arith.cmpf ogt, %squeeze3A_180, %select_n3A_178 : f32
    %slice3A_182 = vector.extract_strided_slice %select_n3A_121 {offsets = [7], sizes = [1], strides = [1]} : vector<16xi32> to vector<1xi32>
    %squeeze3A_183 = vector.extract %slice3A_182[0] : i32 from vector<1xi32>
    %select_n3A_184 = arith.select %gt3A_181, %squeeze3A_183, %select_n3A_175 : i32
    %slice3A_185 = vector.extract_strided_slice %max3A_122 {offsets = [7], sizes = [1], strides = [1]} : vector<16xf32> to vector<1xf32>
    %squeeze3A_186 = vector.extract %slice3A_185[0] : f32 from vector<1xf32>
    %select_n3A_187 = arith.select %gt3A_181, %squeeze3A_186, %select_n3A_178 : f32
    %slice3A_188 = vector.extract_strided_slice %max3A_122 {offsets = [8], sizes = [1], strides = [1]} : vector<16xf32> to vector<1xf32>
    %squeeze3A_189 = vector.extract %slice3A_188[0] : f32 from vector<1xf32>
    %gt3A_190 = arith.cmpf ogt, %squeeze3A_189, %select_n3A_187 : f32
    %slice3A_191 = vector.extract_strided_slice %select_n3A_121 {offsets = [8], sizes = [1], strides = [1]} : vector<16xi32> to vector<1xi32>
    %squeeze3A_192 = vector.extract %slice3A_191[0] : i32 from vector<1xi32>
    %select_n3A_193 = arith.select %gt3A_190, %squeeze3A_192, %select_n3A_184 : i32
    %slice3A_194 = vector.extract_strided_slice %max3A_122 {offsets = [8], sizes = [1], strides = [1]} : vector<16xf32> to vector<1xf32>
    %squeeze3A_195 = vector.extract %slice3A_194[0] : f32 from vector<1xf32>
    %select_n3A_196 = arith.select %gt3A_190, %squeeze3A_195, %select_n3A_187 : f32
    %slice3A_197 = vector.extract_strided_slice %max3A_122 {offsets = [9], sizes = [1], strides = [1]} : vector<16xf32> to vector<1xf32>
    %squeeze3A_198 = vector.extract %slice3A_197[0] : f32 from vector<1xf32>
    %gt3A_199 = arith.cmpf ogt, %squeeze3A_198, %select_n3A_196 : f32
    %slice3A_200 = vector.extract_strided_slice %select_n3A_121 {offsets = [9], sizes = [1], strides = [1]} : vector<16xi32> to vector<1xi32>
    %squeeze3A_201 = vector.extract %slice3A_200[0] : i32 from vector<1xi32>
    %select_n3A_202 = arith.select %gt3A_199, %squeeze3A_201, %select_n3A_193 : i32
    %slice3A_203 = vector.extract_strided_slice %max3A_122 {offsets = [9], sizes = [1], strides = [1]} : vector<16xf32> to vector<1xf32>
    %squeeze3A_204 = vector.extract %slice3A_203[0] : f32 from vector<1xf32>
    %select_n3A_205 = arith.select %gt3A_199, %squeeze3A_204, %select_n3A_196 : f32
    %slice3A_206 = vector.extract_strided_slice %max3A_122 {offsets = [10], sizes = [1], strides = [1]} : vector<16xf32> to vector<1xf32>
    %squeeze3A_207 = vector.extract %slice3A_206[0] : f32 from vector<1xf32>
    %gt3A_208 = arith.cmpf ogt, %squeeze3A_207, %select_n3A_205 : f32
    %slice3A_209 = vector.extract_strided_slice %select_n3A_121 {offsets = [10], sizes = [1], strides = [1]} : vector<16xi32> to vector<1xi32>
    %squeeze3A_210 = vector.extract %slice3A_209[0] : i32 from vector<1xi32>
    %select_n3A_211 = arith.select %gt3A_208, %squeeze3A_210, %select_n3A_202 : i32
    %slice3A_212 = vector.extract_strided_slice %max3A_122 {offsets = [10], sizes = [1], strides = [1]} : vector<16xf32> to vector<1xf32>
    %squeeze3A_213 = vector.extract %slice3A_212[0] : f32 from vector<1xf32>
    %select_n3A_214 = arith.select %gt3A_208, %squeeze3A_213, %select_n3A_205 : f32
    %slice3A_215 = vector.extract_strided_slice %max3A_122 {offsets = [11], sizes = [1], strides = [1]} : vector<16xf32> to vector<1xf32>
    %squeeze3A_216 = vector.extract %slice3A_215[0] : f32 from vector<1xf32>
    %gt3A_217 = arith.cmpf ogt, %squeeze3A_216, %select_n3A_214 : f32
    %slice3A_218 = vector.extract_strided_slice %select_n3A_121 {offsets = [11], sizes = [1], strides = [1]} : vector<16xi32> to vector<1xi32>
    %squeeze3A_219 = vector.extract %slice3A_218[0] : i32 from vector<1xi32>
    %select_n3A_220 = arith.select %gt3A_217, %squeeze3A_219, %select_n3A_211 : i32
    %slice3A_221 = vector.extract_strided_slice %max3A_122 {offsets = [11], sizes = [1], strides = [1]} : vector<16xf32> to vector<1xf32>
    %squeeze3A_222 = vector.extract %slice3A_221[0] : f32 from vector<1xf32>
    %select_n3A_223 = arith.select %gt3A_217, %squeeze3A_222, %select_n3A_214 : f32
    %slice3A_224 = vector.extract_strided_slice %max3A_122 {offsets = [12], sizes = [1], strides = [1]} : vector<16xf32> to vector<1xf32>
    %squeeze3A_225 = vector.extract %slice3A_224[0] : f32 from vector<1xf32>
    %gt3A_226 = arith.cmpf ogt, %squeeze3A_225, %select_n3A_223 : f32
    %slice3A_227 = vector.extract_strided_slice %select_n3A_121 {offsets = [12], sizes = [1], strides = [1]} : vector<16xi32> to vector<1xi32>
    %squeeze3A_228 = vector.extract %slice3A_227[0] : i32 from vector<1xi32>
    %select_n3A_229 = arith.select %gt3A_226, %squeeze3A_228, %select_n3A_220 : i32
    %slice3A_230 = vector.extract_strided_slice %max3A_122 {offsets = [12], sizes = [1], strides = [1]} : vector<16xf32> to vector<1xf32>
    %squeeze3A_231 = vector.extract %slice3A_230[0] : f32 from vector<1xf32>
    %select_n3A_232 = arith.select %gt3A_226, %squeeze3A_231, %select_n3A_223 : f32
    %slice3A_233 = vector.extract_strided_slice %max3A_122 {offsets = [13], sizes = [1], strides = [1]} : vector<16xf32> to vector<1xf32>
    %squeeze3A_234 = vector.extract %slice3A_233[0] : f32 from vector<1xf32>
    %gt3A_235 = arith.cmpf ogt, %squeeze3A_234, %select_n3A_232 : f32
    %slice3A_236 = vector.extract_strided_slice %select_n3A_121 {offsets = [13], sizes = [1], strides = [1]} : vector<16xi32> to vector<1xi32>
    %squeeze3A_237 = vector.extract %slice3A_236[0] : i32 from vector<1xi32>
    %select_n3A_238 = arith.select %gt3A_235, %squeeze3A_237, %select_n3A_229 : i32
    %slice3A_239 = vector.extract_strided_slice %max3A_122 {offsets = [13], sizes = [1], strides = [1]} : vector<16xf32> to vector<1xf32>
    %squeeze3A_240 = vector.extract %slice3A_239[0] : f32 from vector<1xf32>
    %select_n3A_241 = arith.select %gt3A_235, %squeeze3A_240, %select_n3A_232 : f32
    %slice3A_242 = vector.extract_strided_slice %max3A_122 {offsets = [14], sizes = [1], strides = [1]} : vector<16xf32> to vector<1xf32>
    %squeeze3A_243 = vector.extract %slice3A_242[0] : f32 from vector<1xf32>
    %gt3A_244 = arith.cmpf ogt, %squeeze3A_243, %select_n3A_241 : f32
    %slice3A_245 = vector.extract_strided_slice %select_n3A_121 {offsets = [14], sizes = [1], strides = [1]} : vector<16xi32> to vector<1xi32>
    %squeeze3A_246 = vector.extract %slice3A_245[0] : i32 from vector<1xi32>
    %select_n3A_247 = arith.select %gt3A_244, %squeeze3A_246, %select_n3A_238 : i32
    %slice3A_248 = vector.extract_strided_slice %max3A_122 {offsets = [14], sizes = [1], strides = [1]} : vector<16xf32> to vector<1xf32>
    %squeeze3A_249 = vector.extract %slice3A_248[0] : f32 from vector<1xf32>
    %select_n3A_250 = arith.select %gt3A_244, %squeeze3A_249, %select_n3A_241 : f32
    %slice3A_251 = vector.extract_strided_slice %max3A_122 {offsets = [15], sizes = [1], strides = [1]} : vector<16xf32> to vector<1xf32>
    %squeeze3A_252 = vector.extract %slice3A_251[0] : f32 from vector<1xf32>
    %gt3A_253 = arith.cmpf ogt, %squeeze3A_252, %select_n3A_250 : f32
    %slice3A_254 = vector.extract_strided_slice %select_n3A_121 {offsets = [15], sizes = [1], strides = [1]} : vector<16xi32> to vector<1xi32>
    %squeeze3A_255 = vector.extract %slice3A_254[0] : i32 from vector<1xi32>
    %select_n3A_256 = arith.select %gt3A_253, %squeeze3A_255, %select_n3A_247 : i32
    %slice3A_257 = vector.extract_strided_slice %max3A_122 {offsets = [15], sizes = [1], strides = [1]} : vector<16xf32> to vector<1xf32>
    %squeeze3A_258 = vector.extract %slice3A_257[0] : f32 from vector<1xf32>
    %select_n3A_259 = arith.select %gt3A_253, %squeeze3A_258, %select_n3A_250 : f32
    %broadcast_in_dim3A_260 = vector.broadcast %select_n3A_256 : i32 to vector<16xi32>
    %swap3A = arith.constant 0 : i32
    %swap3A_261 = arith.index_cast %swap3A : i32 to index
    %swap3A_262 = arith.constant 0 : index
    %swap3A_263 = tpu.vector_load %arg5[%swap3A_261, %swap3A_262] {strides = array<i32>} : memref<4x16xi32, #tpu.memory_space<vmem>>, vector<1x16xi32>,
    %swap3A_264 = vector.shape_cast %swap3A_263 : vector<1x16xi32> to vector<16xi32>
    %swap3A_265 = vector.shape_cast %broadcast_in_dim3A_260 : vector<16xi32> to vector<1x16xi32>
    tpu.vector_store %arg5[%swap3A_261, %swap3A_262], %swap3A_265 {strides = array<i32>} : memref<4x16xi32, #tpu.memory_space<vmem>>, vector<1x16xi32>,
    %add3A_266 = arith.constant 1 : i32
    %add3A_267 = arith.addi %mul3A_2, %add3A_266 : i32
    %add3A_268 = arith.constant 1 : i32
    %add3A_269 = arith.addi %add3A_267, %add3A_268 : i32
    %dma_start3A_270 = arith.constant 0 : i32
    %dma_start3A_271 = arith.constant 0 : i32
    %dma_start3A_272 = arith.constant 0 : i32
    %dma_start3A_273 = tpu.memref_slice %arg4[%dma_start3A_270, %dma_start3A_271, %dma_start3A_272] : memref<2x1x32768xf32, #tpu.memory_space<vmem>> -> memref<1x1x32768xf32, #tpu.memory_space<vmem>>
    %dma_start3A_274 = tpu.memref_squeeze %dma_start3A_273 : memref<1x1x32768xf32, #tpu.memory_space<vmem>> -> memref<1x32768xf32, #tpu.memory_space<vmem>>
    %dma_start3A_275 = arith.constant 0 : i32
    %dma_start3A_276 = tpu.memref_slice %arg2[%add3A_269, %dma_start3A_275] : memref<128x32768xf32, #tpu.memory_space<hbm>> -> memref<1x32768xf32, #tpu.memory_space<hbm>>
    %dma_start3A_277 = arith.constant 0 : i32
    %dma_start3A_278 = arith.constant 0 : i32
    %dma_start3A_279 = tpu.memref_slice %arg4[%dma_start3A_270, %dma_start3A_277, %dma_start3A_278] : memref<2x1x32768xf32, #tpu.memory_space<vmem>> -> memref<1x1x32768xf32, #tpu.memory_space<vmem>>
    %dma_start3A_280 = tpu.memref_squeeze %dma_start3A_279 : memref<1x1x32768xf32, #tpu.memory_space<vmem>> -> memref<1x32768xf32, #tpu.memory_space<vmem>>
    %dma_start3A_281 = arith.constant 0 : i32
    %dma_start3A_282 = tpu.memref_slice %arg2[%add3A_269, %dma_start3A_281] : memref<128x32768xf32, #tpu.memory_space<hbm>> -> memref<1x32768xf32, #tpu.memory_space<hbm>>
    tpu.enqueue_dma source(%dma_start3A_282 : memref<1x32768xf32, #tpu.memory_space<hbm>>) target(%dma_start3A_280 : memref<1x32768xf32, #tpu.memory_space<vmem>>) target_semaphore(%arg6 : memref<!tpu.dma_semaphore, #tpu.memory_space<semaphore_mem>>)
    %dma_wait3A_283 = arith.constant 1 : i32
    %dma_wait3A_284 = arith.constant 0 : i32
    %dma_wait3A_285 = arith.constant 0 : i32
    %dma_wait3A_286 = tpu.memref_slice %arg4[%dma_wait3A_283, %dma_wait3A_284, %dma_wait3A_285] : memref<2x1x32768xf32, #tpu.memory_space<vmem>> -> memref<1x1x32768xf32, #tpu.memory_space<vmem>>
    %dma_wait3A_287 = tpu.memref_squeeze %dma_wait3A_286 : memref<1x1x32768xf32, #tpu.memory_space<vmem>> -> memref<1x32768xf32, #tpu.memory_space<vmem>>
    %dma_wait3A_288 = arith.constant 0 : i32
    %dma_wait3A_289 = tpu.memref_slice %arg2[%add3A_18, %dma_wait3A_288] : memref<128x32768xf32, #tpu.memory_space<hbm>> -> memref<1x32768xf32, #tpu.memory_space<hbm>>
    %dma_wait3A_290 = arith.constant 0 : i32
    %dma_wait3A_291 = arith.constant 0 : i32
    %dma_wait3A_292 = tpu.memref_slice %arg4[%dma_wait3A_283, %dma_wait3A_290, %dma_wait3A_291] : memref<2x1x32768xf32, #tpu.memory_space<vmem>> -> memref<1x1x32768xf32, #tpu.memory_space<vmem>>
    %dma_wait3A_293 = tpu.memref_squeeze %dma_wait3A_292 : memref<1x1x32768xf32, #tpu.memory_space<vmem>> -> memref<1x32768xf32, #tpu.memory_space<vmem>>
    %dma_wait3A_294 = arith.constant 0 : i32
    %dma_wait3A_295 = tpu.memref_slice %arg2[%add3A_18, %dma_wait3A_294] : memref<128x32768xf32, #tpu.memory_space<hbm>> -> memref<1x32768xf32, #tpu.memory_space<hbm>>
    tpu.wait_dma2 semaphore(%arg6 : memref<!tpu.dma_semaphore, #tpu.memory_space<semaphore_mem>>) src(%dma_wait3A_295 : memref<1x32768xf32, #tpu.memory_space<hbm>>) dst(%dma_wait3A_293 : memref<1x32768xf32, #tpu.memory_space<vmem>>)
    %broadcast_in_dim3A_296 = arith.constant 0xFF800000 : f32
    %broadcast_in_dim3A_297 = vector.broadcast %broadcast_in_dim3A_296 : f32 to vector<16xf32>
    %broadcast_in_dim3A_298 = arith.constant 0 : i32
    %broadcast_in_dim3A_299 = vector.broadcast %broadcast_in_dim3A_298 : i32 to vector<16xi32>
    %scan3A_300 = arith.constant 0 : i32
    %scan3A_301 = arith.constant 256 : i32
    %scan3A_302 = arith.addi %scan3A_300, %scan3A_301 : i32
    %scan3A_303 = arith.constant 1 : i32
    %scan3A_304:16 = scf.for %scan3A_1032 = %scan3A_300 to %scan3A_302 step %scan3A_303 iter_args(%scan3A_1033 = %broadcast_in_dim3A_297, %scan3A_1034 = %broadcast_in_dim3A_297, %scan3A_1035 = %broadcast_in_dim3A_297, %scan3A_1036 = %broadcast_in_dim3A_297, %scan3A_1037 = %broadcast_in_dim3A_297, %scan3A_1038 = %broadcast_in_dim3A_297, %scan3A_1039 = %broadcast_in_dim3A_297, %scan3A_1040 = %broadcast_in_dim3A_297, %scan3A_1041 = %broadcast_in_dim3A_299, %scan3A_1042 = %broadcast_in_dim3A_299, %scan3A_1043 = %broadcast_in_dim3A_299, %scan3A_1044 = %broadcast_in_dim3A_299, %scan3A_1045 = %broadcast_in_dim3A_299, %scan3A_1046 = %broadcast_in_dim3A_299, %scan3A_1047 = %broadcast_in_dim3A_299, %scan3A_1048 = %broadcast_in_dim3A_299) -> (vector<16xf32>, vector<16xf32>, vector<16xf32>, vector<16xf32>, vector<16xf32>, vector<16xf32>, vector<16xf32>, vector<16xf32>, vector<16xi32>, vector<16xi32>, vector<16xi32>, vector<16xi32>, vector<16xi32>, vector<16xi32>, vector<16xi32>, vector<16xi32>)  : i32 {
      %broadcast_in_dim3A_1049 = arith.constant 0 : i32
      %broadcast_in_dim3A_1050 = vector.broadcast %broadcast_in_dim3A_1049 : i32 to vector<16xi32>
      %add3A_1051 = vector.broadcast %scan3A_1032 : i32 to vector<16xi32>
      %add3A_1052 = arith.addi %broadcast_in_dim3A_1050, %add3A_1051 : vector<16xi32>
      %mul3A_1053 = arith.constant 8 : i32
      %mul3A_1054 = arith.muli %scan3A_1032, %mul3A_1053 : i32
      %add3A_1055 = arith.constant 0 : i32
      %add3A_1056 = arith.addi %mul3A_1054, %add3A_1055 : i32
      %mul3A_1057 = arith.constant 16 : i32
      %mul3A_1058 = arith.muli %add3A_1056, %mul3A_1057 : i32
      %get3A = arith.constant 1 : i32
      %get3A_1059 = arith.constant 0 : i32
      %get3A_1060 = arith.index_cast %get3A : i32 to index
      %get3A_1061 = arith.index_cast %get3A_1059 : i32 to index
      %get3A_1062 = arith.index_cast %mul3A_1058 : i32 to index
      %get3A_1063 = tpu.vector_load %arg4[%get3A_1060, %get3A_1061, %get3A_1062] {strides = array<i32>} : memref<2x1x32768xf32, #tpu.memory_space<vmem>>, vector<1x1x16xf32>,
      %get3A_1064 = vector.shape_cast %get3A_1063 : vector<1x1x16xf32> to vector<16xf32>
      %gt3A_1065 = arith.cmpf ogt, %get3A_1064, %scan3A_1033 : vector<16xf32>
      %max3A_1066 = arith.maximumf %scan3A_1033, %get3A_1064 : vector<16xf32>
      %select_n3A_1067 = arith.select %gt3A_1065, %add3A_1052, %scan3A_1041 : vector<16xi1>, vector<16xi32>
      %mul3A_1068 = arith.constant 8 : i32
      %mul3A_1069 = arith.muli %scan3A_1032, %mul3A_1068 : i32
      %add3A_1070 = arith.constant 1 : i32
      %add3A_1071 = arith.addi %mul3A_1069, %add3A_1070 : i32
      %mul3A_1072 = arith.constant 16 : i32
      %mul3A_1073 = arith.muli %add3A_1071, %mul3A_1072 : i32
      %get3A_1074 = arith.constant 1 : i32
      %get3A_1075 = arith.constant 0 : i32
      %get3A_1076 = arith.index_cast %get3A_1074 : i32 to index
      %get3A_1077 = arith.index_cast %get3A_1075 : i32 to index
      %get3A_1078 = arith.index_cast %mul3A_1073 : i32 to index
      %get3A_1079 = tpu.vector_load %arg4[%get3A_1076, %get3A_1077, %get3A_1078] {strides = array<i32>} : memref<2x1x32768xf32, #tpu.memory_space<vmem>>, vector<1x1x16xf32>,
      %get3A_1080 = vector.shape_cast %get3A_1079 : vector<1x1x16xf32> to vector<16xf32>
      %gt3A_1081 = arith.cmpf ogt, %get3A_1080, %scan3A_1034 : vector<16xf32>
      %max3A_1082 = arith.maximumf %scan3A_1034, %get3A_1080 : vector<16xf32>
      %select_n3A_1083 = arith.select %gt3A_1081, %add3A_1052, %scan3A_1042 : vector<16xi1>, vector<16xi32>
      %mul3A_1084 = arith.constant 8 : i32
      %mul3A_1085 = arith.muli %scan3A_1032, %mul3A_1084 : i32
      %add3A_1086 = arith.constant 2 : i32
      %add3A_1087 = arith.addi %mul3A_1085, %add3A_1086 : i32
      %mul3A_1088 = arith.constant 16 : i32
      %mul3A_1089 = arith.muli %add3A_1087, %mul3A_1088 : i32
      %get3A_1090 = arith.constant 1 : i32
      %get3A_1091 = arith.constant 0 : i32
      %get3A_1092 = arith.index_cast %get3A_1090 : i32 to index
      %get3A_1093 = arith.index_cast %get3A_1091 : i32 to index
      %get3A_1094 = arith.index_cast %mul3A_1089 : i32 to index
      %get3A_1095 = tpu.vector_load %arg4[%get3A_1092, %get3A_1093, %get3A_1094] {strides = array<i32>} : memref<2x1x32768xf32, #tpu.memory_space<vmem>>, vector<1x1x16xf32>,
      %get3A_1096 = vector.shape_cast %get3A_1095 : vector<1x1x16xf32> to vector<16xf32>
      %gt3A_1097 = arith.cmpf ogt, %get3A_1096, %scan3A_1035 : vector<16xf32>
      %max3A_1098 = arith.maximumf %scan3A_1035, %get3A_1096 : vector<16xf32>
      %select_n3A_1099 = arith.select %gt3A_1097, %add3A_1052, %scan3A_1043 : vector<16xi1>, vector<16xi32>
      %mul3A_1100 = arith.constant 8 : i32
      %mul3A_1101 = arith.muli %scan3A_1032, %mul3A_1100 : i32
      %add3A_1102 = arith.constant 3 : i32
      %add3A_1103 = arith.addi %mul3A_1101, %add3A_1102 : i32
      %mul3A_1104 = arith.constant 16 : i32
      %mul3A_1105 = arith.muli %add3A_1103, %mul3A_1104 : i32
      %get3A_1106 = arith.constant 1 : i32
      %get3A_1107 = arith.constant 0 : i32
      %get3A_1108 = arith.index_cast %get3A_1106 : i32 to index
      %get3A_1109 = arith.index_cast %get3A_1107 : i32 to index
      %get3A_1110 = arith.index_cast %mul3A_1105 : i32 to index
      %get3A_1111 = tpu.vector_load %arg4[%get3A_1108, %get3A_1109, %get3A_1110] {strides = array<i32>} : memref<2x1x32768xf32, #tpu.memory_space<vmem>>, vector<1x1x16xf32>,
      %get3A_1112 = vector.shape_cast %get3A_1111 : vector<1x1x16xf32> to vector<16xf32>
      %gt3A_1113 = arith.cmpf ogt, %get3A_1112, %scan3A_1036 : vector<16xf32>
      %max3A_1114 = arith.maximumf %scan3A_1036, %get3A_1112 : vector<16xf32>
      %select_n3A_1115 = arith.select %gt3A_1113, %add3A_1052, %scan3A_1044 : vector<16xi1>, vector<16xi32>
      %mul3A_1116 = arith.constant 8 : i32
      %mul3A_1117 = arith.muli %scan3A_1032, %mul3A_1116 : i32
      %add3A_1118 = arith.constant 4 : i32
      %add3A_1119 = arith.addi %mul3A_1117, %add3A_1118 : i32
      %mul3A_1120 = arith.constant 16 : i32
      %mul3A_1121 = arith.muli %add3A_1119, %mul3A_1120 : i32
      %get3A_1122 = arith.constant 1 : i32
      %get3A_1123 = arith.constant 0 : i32
      %get3A_1124 = arith.index_cast %get3A_1122 : i32 to index
      %get3A_1125 = arith.index_cast %get3A_1123 : i32 to index
      %get3A_1126 = arith.index_cast %mul3A_1121 : i32 to index
      %get3A_1127 = tpu.vector_load %arg4[%get3A_1124, %get3A_1125, %get3A_1126] {strides = array<i32>} : memref<2x1x32768xf32, #tpu.memory_space<vmem>>, vector<1x1x16xf32>,
      %get3A_1128 = vector.shape_cast %get3A_1127 : vector<1x1x16xf32> to vector<16xf32>
      %gt3A_1129 = arith.cmpf ogt, %get3A_1128, %scan3A_1037 : vector<16xf32>
      %max3A_1130 = arith.maximumf %scan3A_1037, %get3A_1128 : vector<16xf32>
      %select_n3A_1131 = arith.select %gt3A_1129, %add3A_1052, %scan3A_1045 : vector<16xi1>, vector<16xi32>
      %mul3A_1132 = arith.constant 8 : i32
      %mul3A_1133 = arith.muli %scan3A_1032, %mul3A_1132 : i32
      %add3A_1134 = arith.constant 5 : i32
      %add3A_1135 = arith.addi %mul3A_1133, %add3A_1134 : i32
      %mul3A_1136 = arith.constant 16 : i32
      %mul3A_1137 = arith.muli %add3A_1135, %mul3A_1136 : i32
      %get3A_1138 = arith.constant 1 : i32
      %get3A_1139 = arith.constant 0 : i32
      %get3A_1140 = arith.index_cast %get3A_1138 : i32 to index
      %get3A_1141 = arith.index_cast %get3A_1139 : i32 to index
      %get3A_1142 = arith.index_cast %mul3A_1137 : i32 to index
      %get3A_1143 = tpu.vector_load %arg4[%get3A_1140, %get3A_1141, %get3A_1142] {strides = array<i32>} : memref<2x1x32768xf32, #tpu.memory_space<vmem>>, vector<1x1x16xf32>,
      %get3A_1144 = vector.shape_cast %get3A_1143 : vector<1x1x16xf32> to vector<16xf32>
      %gt3A_1145 = arith.cmpf ogt, %get3A_1144, %scan3A_1038 : vector<16xf32>
      %max3A_1146 = arith.maximumf %scan3A_1038, %get3A_1144 : vector<16xf32>
      %select_n3A_1147 = arith.select %gt3A_1145, %add3A_1052, %scan3A_1046 : vector<16xi1>, vector<16xi32>
      %mul3A_1148 = arith.constant 8 : i32
      %mul3A_1149 = arith.muli %scan3A_1032, %mul3A_1148 : i32
      %add3A_1150 = arith.constant 6 : i32
      %add3A_1151 = arith.addi %mul3A_1149, %add3A_1150 : i32
      %mul3A_1152 = arith.constant 16 : i32
      %mul3A_1153 = arith.muli %add3A_1151, %mul3A_1152 : i32
      %get3A_1154 = arith.constant 1 : i32
      %get3A_1155 = arith.constant 0 : i32
      %get3A_1156 = arith.index_cast %get3A_1154 : i32 to index
      %get3A_1157 = arith.index_cast %get3A_1155 : i32 to index
      %get3A_1158 = arith.index_cast %mul3A_1153 : i32 to index
      %get3A_1159 = tpu.vector_load %arg4[%get3A_1156, %get3A_1157, %get3A_1158] {strides = array<i32>} : memref<2x1x32768xf32, #tpu.memory_space<vmem>>, vector<1x1x16xf32>,
      %get3A_1160 = vector.shape_cast %get3A_1159 : vector<1x1x16xf32> to vector<16xf32>
      %gt3A_1161 = arith.cmpf ogt, %get3A_1160, %scan3A_1039 : vector<16xf32>
      %max3A_1162 = arith.maximumf %scan3A_1039, %get3A_1160 : vector<16xf32>
      %select_n3A_1163 = arith.select %gt3A_1161, %add3A_1052, %scan3A_1047 : vector<16xi1>, vector<16xi32>
      %mul3A_1164 = arith.constant 8 : i32
      %mul3A_1165 = arith.muli %scan3A_1032, %mul3A_1164 : i32
      %add3A_1166 = arith.constant 7 : i32
      %add3A_1167 = arith.addi %mul3A_1165, %add3A_1166 : i32
      %mul3A_1168 = arith.constant 16 : i32
      %mul3A_1169 = arith.muli %add3A_1167, %mul3A_1168 : i32
      %get3A_1170 = arith.constant 1 : i32
      %get3A_1171 = arith.constant 0 : i32
      %get3A_1172 = arith.index_cast %get3A_1170 : i32 to index
      %get3A_1173 = arith.index_cast %get3A_1171 : i32 to index
      %get3A_1174 = arith.index_cast %mul3A_1169 : i32 to index
      %get3A_1175 = tpu.vector_load %arg4[%get3A_1172, %get3A_1173, %get3A_1174] {strides = array<i32>} : memref<2x1x32768xf32, #tpu.memory_space<vmem>>, vector<1x1x16xf32>,
      %get3A_1176 = vector.shape_cast %get3A_1175 : vector<1x1x16xf32> to vector<16xf32>
      %gt3A_1177 = arith.cmpf ogt, %get3A_1176, %scan3A_1040 : vector<16xf32>
      %max3A_1178 = arith.maximumf %scan3A_1040, %get3A_1176 : vector<16xf32>
      %select_n3A_1179 = arith.select %gt3A_1177, %add3A_1052, %scan3A_1048 : vector<16xi1>, vector<16xi32>
      scf.yield %max3A_1066, %max3A_1082, %max3A_1098, %max3A_1114, %max3A_1130, %max3A_1146, %max3A_1162, %max3A_1178, %select_n3A_1067, %select_n3A_1083, %select_n3A_1099, %select_n3A_1115, %select_n3A_1131, %select_n3A_1147, %select_n3A_1163, %select_n3A_1179 : vector<16xf32>, vector<16xf32>, vector<16xf32>, vector<16xf32>, vector<16xf32>, vector<16xf32>, vector<16xf32>, vector<16xf32>, vector<16xi32>, vector<16xi32>, vector<16xi32>, vector<16xi32>, vector<16xi32>, vector<16xi32>, vector<16xi32>, vector<16xi32>
    }
    %scan3A_305 = arith.constant 256 : i32
    %iota3A_306 = tpu.iota {dimensions = array<i32: 0>} : vector<16xi32>
    %mul3A_307 = arith.constant 128 : i32
    %mul3A_308 = vector.broadcast %mul3A_307 : i32 to vector<16xi32>
    %mul3A_309 = arith.muli %scan3A_304#8, %mul3A_308 : vector<16xi32>
    %add3A_310 = arith.addi %mul3A_309, %iota3A_306 : vector<16xi32>
    %mul3A_311 = arith.constant 128 : i32
    %mul3A_312 = vector.broadcast %mul3A_311 : i32 to vector<16xi32>
    %mul3A_313 = arith.muli %scan3A_304#9, %mul3A_312 : vector<16xi32>
    %add3A_314 = arith.constant 16 : i32
    %add3A_315 = vector.broadcast %add3A_314 : i32 to vector<16xi32>
    %add3A_316 = arith.addi %mul3A_313, %add3A_315 : vector<16xi32>
    %add3A_317 = arith.addi %add3A_316, %iota3A_306 : vector<16xi32>
    %gt3A_318 = arith.cmpf ogt, %scan3A_304#1, %scan3A_304#0 : vector<16xf32>
    %select_n3A_319 = arith.select %gt3A_318, %add3A_317, %add3A_310 : vector<16xi1>, vector<16xi32>
    %max3A_320 = arith.maximumf %scan3A_304#0, %scan3A_304#1 : vector<16xf32>
    %mul3A_321 = arith.constant 128 : i32
    %mul3A_322 = vector.broadcast %mul3A_321 : i32 to vector<16xi32>
    %mul3A_323 = arith.muli %scan3A_304#10, %mul3A_322 : vector<16xi32>
    %add3A_324 = arith.constant 32 : i32
    %add3A_325 = vector.broadcast %add3A_324 : i32 to vector<16xi32>
    %add3A_326 = arith.addi %mul3A_323, %add3A_325 : vector<16xi32>
    %add3A_327 = arith.addi %add3A_326, %iota3A_306 : vector<16xi32>
    %gt3A_328 = arith.cmpf ogt, %scan3A_304#2, %max3A_320 : vector<16xf32>
    %select_n3A_329 = arith.select %gt3A_328, %add3A_327, %select_n3A_319 : vector<16xi1>, vector<16xi32>
    %max3A_330 = arith.maximumf %max3A_320, %scan3A_304#2 : vector<16xf32>
    %mul3A_331 = arith.constant 128 : i32
    %mul3A_332 = vector.broadcast %mul3A_331 : i32 to vector<16xi32>
    %mul3A_333 = arith.muli %scan3A_304#11, %mul3A_332 : vector<16xi32>
    %add3A_334 = arith.constant 48 : i32
    %add3A_335 = vector.broadcast %add3A_334 : i32 to vector<16xi32>
    %add3A_336 = arith.addi %mul3A_333, %add3A_335 : vector<16xi32>
    %add3A_337 = arith.addi %add3A_336, %iota3A_306 : vector<16xi32>
    %gt3A_338 = arith.cmpf ogt, %scan3A_304#3, %max3A_330 : vector<16xf32>
    %select_n3A_339 = arith.select %gt3A_338, %add3A_337, %select_n3A_329 : vector<16xi1>, vector<16xi32>
    %max3A_340 = arith.maximumf %max3A_330, %scan3A_304#3 : vector<16xf32>
    %mul3A_341 = arith.constant 128 : i32
    %mul3A_342 = vector.broadcast %mul3A_341 : i32 to vector<16xi32>
    %mul3A_343 = arith.muli %scan3A_304#12, %mul3A_342 : vector<16xi32>
    %add3A_344 = arith.constant 64 : i32
    %add3A_345 = vector.broadcast %add3A_344 : i32 to vector<16xi32>
    %add3A_346 = arith.addi %mul3A_343, %add3A_345 : vector<16xi32>
    %add3A_347 = arith.addi %add3A_346, %iota3A_306 : vector<16xi32>
    %gt3A_348 = arith.cmpf ogt, %scan3A_304#4, %max3A_340 : vector<16xf32>
    %select_n3A_349 = arith.select %gt3A_348, %add3A_347, %select_n3A_339 : vector<16xi1>, vector<16xi32>
    %max3A_350 = arith.maximumf %max3A_340, %scan3A_304#4 : vector<16xf32>
    %mul3A_351 = arith.constant 128 : i32
    %mul3A_352 = vector.broadcast %mul3A_351 : i32 to vector<16xi32>
    %mul3A_353 = arith.muli %scan3A_304#13, %mul3A_352 : vector<16xi32>
    %add3A_354 = arith.constant 80 : i32
    %add3A_355 = vector.broadcast %add3A_354 : i32 to vector<16xi32>
    %add3A_356 = arith.addi %mul3A_353, %add3A_355 : vector<16xi32>
    %add3A_357 = arith.addi %add3A_356, %iota3A_306 : vector<16xi32>
    %gt3A_358 = arith.cmpf ogt, %scan3A_304#5, %max3A_350 : vector<16xf32>
    %select_n3A_359 = arith.select %gt3A_358, %add3A_357, %select_n3A_349 : vector<16xi1>, vector<16xi32>
    %max3A_360 = arith.maximumf %max3A_350, %scan3A_304#5 : vector<16xf32>
    %mul3A_361 = arith.constant 128 : i32
    %mul3A_362 = vector.broadcast %mul3A_361 : i32 to vector<16xi32>
    %mul3A_363 = arith.muli %scan3A_304#14, %mul3A_362 : vector<16xi32>
    %add3A_364 = arith.constant 96 : i32
    %add3A_365 = vector.broadcast %add3A_364 : i32 to vector<16xi32>
    %add3A_366 = arith.addi %mul3A_363, %add3A_365 : vector<16xi32>
    %add3A_367 = arith.addi %add3A_366, %iota3A_306 : vector<16xi32>
    %gt3A_368 = arith.cmpf ogt, %scan3A_304#6, %max3A_360 : vector<16xf32>
    %select_n3A_369 = arith.select %gt3A_368, %add3A_367, %select_n3A_359 : vector<16xi1>, vector<16xi32>
    %max3A_370 = arith.maximumf %max3A_360, %scan3A_304#6 : vector<16xf32>
    %mul3A_371 = arith.constant 128 : i32
    %mul3A_372 = vector.broadcast %mul3A_371 : i32 to vector<16xi32>
    %mul3A_373 = arith.muli %scan3A_304#15, %mul3A_372 : vector<16xi32>
    %add3A_374 = arith.constant 112 : i32
    %add3A_375 = vector.broadcast %add3A_374 : i32 to vector<16xi32>
    %add3A_376 = arith.addi %mul3A_373, %add3A_375 : vector<16xi32>
    %add3A_377 = arith.addi %add3A_376, %iota3A_306 : vector<16xi32>
    %gt3A_378 = arith.cmpf ogt, %scan3A_304#7, %max3A_370 : vector<16xf32>
    %select_n3A_379 = arith.select %gt3A_378, %add3A_377, %select_n3A_369 : vector<16xi1>, vector<16xi32>
    %max3A_380 = arith.maximumf %max3A_370, %scan3A_304#7 : vector<16xf32>
    %slice3A_381 = vector.extract_strided_slice %max3A_380 {offsets = [0], sizes = [1], strides = [1]} : vector<16xf32> to vector<1xf32>
    %squeeze3A_382 = vector.extract %slice3A_381[0] : f32 from vector<1xf32>
    %slice3A_383 = vector.extract_strided_slice %select_n3A_379 {offsets = [0], sizes = [1], strides = [1]} : vector<16xi32> to vector<1xi32>
    %squeeze3A_384 = vector.extract %slice3A_383[0] : i32 from vector<1xi32>
    %slice3A_385 = vector.extract_strided_slice %max3A_380 {offsets = [1], sizes = [1], strides = [1]} : vector<16xf32> to vector<1xf32>
    %squeeze3A_386 = vector.extract %slice3A_385[0] : f32 from vector<1xf32>
    %gt3A_387 = arith.cmpf ogt, %squeeze3A_386, %squeeze3A_382 : f32
    %slice3A_388 = vector.extract_strided_slice %select_n3A_379 {offsets = [1], sizes = [1], strides = [1]} : vector<16xi32> to vector<1xi32>
    %squeeze3A_389 = vector.extract %slice3A_388[0] : i32 from vector<1xi32>
    %select_n3A_390 = arith.select %gt3A_387, %squeeze3A_389, %squeeze3A_384 : i32
    %slice3A_391 = vector.extract_strided_slice %max3A_380 {offsets = [1], sizes = [1], strides = [1]} : vector<16xf32> to vector<1xf32>
    %squeeze3A_392 = vector.extract %slice3A_391[0] : f32 from vector<1xf32>
    %select_n3A_393 = arith.select %gt3A_387, %squeeze3A_392, %squeeze3A_382 : f32
    %slice3A_394 = vector.extract_strided_slice %max3A_380 {offsets = [2], sizes = [1], strides = [1]} : vector<16xf32> to vector<1xf32>
    %squeeze3A_395 = vector.extract %slice3A_394[0] : f32 from vector<1xf32>
    %gt3A_396 = arith.cmpf ogt, %squeeze3A_395, %select_n3A_393 : f32
    %slice3A_397 = vector.extract_strided_slice %select_n3A_379 {offsets = [2], sizes = [1], strides = [1]} : vector<16xi32> to vector<1xi32>
    %squeeze3A_398 = vector.extract %slice3A_397[0] : i32 from vector<1xi32>
    %select_n3A_399 = arith.select %gt3A_396, %squeeze3A_398, %select_n3A_390 : i32
    %slice3A_400 = vector.extract_strided_slice %max3A_380 {offsets = [2], sizes = [1], strides = [1]} : vector<16xf32> to vector<1xf32>
    %squeeze3A_401 = vector.extract %slice3A_400[0] : f32 from vector<1xf32>
    %select_n3A_402 = arith.select %gt3A_396, %squeeze3A_401, %select_n3A_393 : f32
    %slice3A_403 = vector.extract_strided_slice %max3A_380 {offsets = [3], sizes = [1], strides = [1]} : vector<16xf32> to vector<1xf32>
    %squeeze3A_404 = vector.extract %slice3A_403[0] : f32 from vector<1xf32>
    %gt3A_405 = arith.cmpf ogt, %squeeze3A_404, %select_n3A_402 : f32
    %slice3A_406 = vector.extract_strided_slice %select_n3A_379 {offsets = [3], sizes = [1], strides = [1]} : vector<16xi32> to vector<1xi32>
    %squeeze3A_407 = vector.extract %slice3A_406[0] : i32 from vector<1xi32>
    %select_n3A_408 = arith.select %gt3A_405, %squeeze3A_407, %select_n3A_399 : i32
    %slice3A_409 = vector.extract_strided_slice %max3A_380 {offsets = [3], sizes = [1], strides = [1]} : vector<16xf32> to vector<1xf32>
    %squeeze3A_410 = vector.extract %slice3A_409[0] : f32 from vector<1xf32>
    %select_n3A_411 = arith.select %gt3A_405, %squeeze3A_410, %select_n3A_402 : f32
    %slice3A_412 = vector.extract_strided_slice %max3A_380 {offsets = [4], sizes = [1], strides = [1]} : vector<16xf32> to vector<1xf32>
    %squeeze3A_413 = vector.extract %slice3A_412[0] : f32 from vector<1xf32>
    %gt3A_414 = arith.cmpf ogt, %squeeze3A_413, %select_n3A_411 : f32
    %slice3A_415 = vector.extract_strided_slice %select_n3A_379 {offsets = [4], sizes = [1], strides = [1]} : vector<16xi32> to vector<1xi32>
    %squeeze3A_416 = vector.extract %slice3A_415[0] : i32 from vector<1xi32>
    %select_n3A_417 = arith.select %gt3A_414, %squeeze3A_416, %select_n3A_408 : i32
    %slice3A_418 = vector.extract_strided_slice %max3A_380 {offsets = [4], sizes = [1], strides = [1]} : vector<16xf32> to vector<1xf32>
    %squeeze3A_419 = vector.extract %slice3A_418[0] : f32 from vector<1xf32>
    %select_n3A_420 = arith.select %gt3A_414, %squeeze3A_419, %select_n3A_411 : f32
    %slice3A_421 = vector.extract_strided_slice %max3A_380 {offsets = [5], sizes = [1], strides = [1]} : vector<16xf32> to vector<1xf32>
    %squeeze3A_422 = vector.extract %slice3A_421[0] : f32 from vector<1xf32>
    %gt3A_423 = arith.cmpf ogt, %squeeze3A_422, %select_n3A_420 : f32
    %slice3A_424 = vector.extract_strided_slice %select_n3A_379 {offsets = [5], sizes = [1], strides = [1]} : vector<16xi32> to vector<1xi32>
    %squeeze3A_425 = vector.extract %slice3A_424[0] : i32 from vector<1xi32>
    %select_n3A_426 = arith.select %gt3A_423, %squeeze3A_425, %select_n3A_417 : i32
    %slice3A_427 = vector.extract_strided_slice %max3A_380 {offsets = [5], sizes = [1], strides = [1]} : vector<16xf32> to vector<1xf32>
    %squeeze3A_428 = vector.extract %slice3A_427[0] : f32 from vector<1xf32>
    %select_n3A_429 = arith.select %gt3A_423, %squeeze3A_428, %select_n3A_420 : f32
    %slice3A_430 = vector.extract_strided_slice %max3A_380 {offsets = [6], sizes = [1], strides = [1]} : vector<16xf32> to vector<1xf32>
    %squeeze3A_431 = vector.extract %slice3A_430[0] : f32 from vector<1xf32>
    %gt3A_432 = arith.cmpf ogt, %squeeze3A_431, %select_n3A_429 : f32
    %slice3A_433 = vector.extract_strided_slice %select_n3A_379 {offsets = [6], sizes = [1], strides = [1]} : vector<16xi32> to vector<1xi32>
    %squeeze3A_434 = vector.extract %slice3A_433[0] : i32 from vector<1xi32>
    %select_n3A_435 = arith.select %gt3A_432, %squeeze3A_434, %select_n3A_426 : i32
    %slice3A_436 = vector.extract_strided_slice %max3A_380 {offsets = [6], sizes = [1], strides = [1]} : vector<16xf32> to vector<1xf32>
    %squeeze3A_437 = vector.extract %slice3A_436[0] : f32 from vector<1xf32>
    %select_n3A_438 = arith.select %gt3A_432, %squeeze3A_437, %select_n3A_429 : f32
    %slice3A_439 = vector.extract_strided_slice %max3A_380 {offsets = [7], sizes = [1], strides = [1]} : vector<16xf32> to vector<1xf32>
    %squeeze3A_440 = vector.extract %slice3A_439[0] : f32 from vector<1xf32>
    %gt3A_441 = arith.cmpf ogt, %squeeze3A_440, %select_n3A_438 : f32
    %slice3A_442 = vector.extract_strided_slice %select_n3A_379 {offsets = [7], sizes = [1], strides = [1]} : vector<16xi32> to vector<1xi32>
    %squeeze3A_443 = vector.extract %slice3A_442[0] : i32 from vector<1xi32>
    %select_n3A_444 = arith.select %gt3A_441, %squeeze3A_443, %select_n3A_435 : i32
    %slice3A_445 = vector.extract_strided_slice %max3A_380 {offsets = [7], sizes = [1], strides = [1]} : vector<16xf32> to vector<1xf32>
    %squeeze3A_446 = vector.extract %slice3A_445[0] : f32 from vector<1xf32>
    %select_n3A_447 = arith.select %gt3A_441, %squeeze3A_446, %select_n3A_438 : f32
    %slice3A_448 = vector.extract_strided_slice %max3A_380 {offsets = [8], sizes = [1], strides = [1]} : vector<16xf32> to vector<1xf32>
    %squeeze3A_449 = vector.extract %slice3A_448[0] : f32 from vector<1xf32>
    %gt3A_450 = arith.cmpf ogt, %squeeze3A_449, %select_n3A_447 : f32
    %slice3A_451 = vector.extract_strided_slice %select_n3A_379 {offsets = [8], sizes = [1], strides = [1]} : vector<16xi32> to vector<1xi32>
    %squeeze3A_452 = vector.extract %slice3A_451[0] : i32 from vector<1xi32>
    %select_n3A_453 = arith.select %gt3A_450, %squeeze3A_452, %select_n3A_444 : i32
    %slice3A_454 = vector.extract_strided_slice %max3A_380 {offsets = [8], sizes = [1], strides = [1]} : vector<16xf32> to vector<1xf32>
    %squeeze3A_455 = vector.extract %slice3A_454[0] : f32 from vector<1xf32>
    %select_n3A_456 = arith.select %gt3A_450, %squeeze3A_455, %select_n3A_447 : f32
    %slice3A_457 = vector.extract_strided_slice %max3A_380 {offsets = [9], sizes = [1], strides = [1]} : vector<16xf32> to vector<1xf32>
    %squeeze3A_458 = vector.extract %slice3A_457[0] : f32 from vector<1xf32>
    %gt3A_459 = arith.cmpf ogt, %squeeze3A_458, %select_n3A_456 : f32
    %slice3A_460 = vector.extract_strided_slice %select_n3A_379 {offsets = [9], sizes = [1], strides = [1]} : vector<16xi32> to vector<1xi32>
    %squeeze3A_461 = vector.extract %slice3A_460[0] : i32 from vector<1xi32>
    %select_n3A_462 = arith.select %gt3A_459, %squeeze3A_461, %select_n3A_453 : i32
    %slice3A_463 = vector.extract_strided_slice %max3A_380 {offsets = [9], sizes = [1], strides = [1]} : vector<16xf32> to vector<1xf32>
    %squeeze3A_464 = vector.extract %slice3A_463[0] : f32 from vector<1xf32>
    %select_n3A_465 = arith.select %gt3A_459, %squeeze3A_464, %select_n3A_456 : f32
    %slice3A_466 = vector.extract_strided_slice %max3A_380 {offsets = [10], sizes = [1], strides = [1]} : vector<16xf32> to vector<1xf32>
    %squeeze3A_467 = vector.extract %slice3A_466[0] : f32 from vector<1xf32>
    %gt3A_468 = arith.cmpf ogt, %squeeze3A_467, %select_n3A_465 : f32
    %slice3A_469 = vector.extract_strided_slice %select_n3A_379 {offsets = [10], sizes = [1], strides = [1]} : vector<16xi32> to vector<1xi32>
    %squeeze3A_470 = vector.extract %slice3A_469[0] : i32 from vector<1xi32>
    %select_n3A_471 = arith.select %gt3A_468, %squeeze3A_470, %select_n3A_462 : i32
    %slice3A_472 = vector.extract_strided_slice %max3A_380 {offsets = [10], sizes = [1], strides = [1]} : vector<16xf32> to vector<1xf32>
    %squeeze3A_473 = vector.extract %slice3A_472[0] : f32 from vector<1xf32>
    %select_n3A_474 = arith.select %gt3A_468, %squeeze3A_473, %select_n3A_465 : f32
    %slice3A_475 = vector.extract_strided_slice %max3A_380 {offsets = [11], sizes = [1], strides = [1]} : vector<16xf32> to vector<1xf32>
    %squeeze3A_476 = vector.extract %slice3A_475[0] : f32 from vector<1xf32>
    %gt3A_477 = arith.cmpf ogt, %squeeze3A_476, %select_n3A_474 : f32
    %slice3A_478 = vector.extract_strided_slice %select_n3A_379 {offsets = [11], sizes = [1], strides = [1]} : vector<16xi32> to vector<1xi32>
    %squeeze3A_479 = vector.extract %slice3A_478[0] : i32 from vector<1xi32>
    %select_n3A_480 = arith.select %gt3A_477, %squeeze3A_479, %select_n3A_471 : i32
    %slice3A_481 = vector.extract_strided_slice %max3A_380 {offsets = [11], sizes = [1], strides = [1]} : vector<16xf32> to vector<1xf32>
    %squeeze3A_482 = vector.extract %slice3A_481[0] : f32 from vector<1xf32>
    %select_n3A_483 = arith.select %gt3A_477, %squeeze3A_482, %select_n3A_474 : f32
    %slice3A_484 = vector.extract_strided_slice %max3A_380 {offsets = [12], sizes = [1], strides = [1]} : vector<16xf32> to vector<1xf32>
    %squeeze3A_485 = vector.extract %slice3A_484[0] : f32 from vector<1xf32>
    %gt3A_486 = arith.cmpf ogt, %squeeze3A_485, %select_n3A_483 : f32
    %slice3A_487 = vector.extract_strided_slice %select_n3A_379 {offsets = [12], sizes = [1], strides = [1]} : vector<16xi32> to vector<1xi32>
    %squeeze3A_488 = vector.extract %slice3A_487[0] : i32 from vector<1xi32>
    %select_n3A_489 = arith.select %gt3A_486, %squeeze3A_488, %select_n3A_480 : i32
    %slice3A_490 = vector.extract_strided_slice %max3A_380 {offsets = [12], sizes = [1], strides = [1]} : vector<16xf32> to vector<1xf32>
    %squeeze3A_491 = vector.extract %slice3A_490[0] : f32 from vector<1xf32>
    %select_n3A_492 = arith.select %gt3A_486, %squeeze3A_491, %select_n3A_483 : f32
    %slice3A_493 = vector.extract_strided_slice %max3A_380 {offsets = [13], sizes = [1], strides = [1]} : vector<16xf32> to vector<1xf32>
    %squeeze3A_494 = vector.extract %slice3A_493[0] : f32 from vector<1xf32>
    %gt3A_495 = arith.cmpf ogt, %squeeze3A_494, %select_n3A_492 : f32
    %slice3A_496 = vector.extract_strided_slice %select_n3A_379 {offsets = [13], sizes = [1], strides = [1]} : vector<16xi32> to vector<1xi32>
    %squeeze3A_497 = vector.extract %slice3A_496[0] : i32 from vector<1xi32>
    %select_n3A_498 = arith.select %gt3A_495, %squeeze3A_497, %select_n3A_489 : i32
    %slice3A_499 = vector.extract_strided_slice %max3A_380 {offsets = [13], sizes = [1], strides = [1]} : vector<16xf32> to vector<1xf32>
    %squeeze3A_500 = vector.extract %slice3A_499[0] : f32 from vector<1xf32>
    %select_n3A_501 = arith.select %gt3A_495, %squeeze3A_500, %select_n3A_492 : f32
    %slice3A_502 = vector.extract_strided_slice %max3A_380 {offsets = [14], sizes = [1], strides = [1]} : vector<16xf32> to vector<1xf32>
    %squeeze3A_503 = vector.extract %slice3A_502[0] : f32 from vector<1xf32>
    %gt3A_504 = arith.cmpf ogt, %squeeze3A_503, %select_n3A_501 : f32
    %slice3A_505 = vector.extract_strided_slice %select_n3A_379 {offsets = [14], sizes = [1], strides = [1]} : vector<16xi32> to vector<1xi32>
    %squeeze3A_506 = vector.extract %slice3A_505[0] : i32 from vector<1xi32>
    %select_n3A_507 = arith.select %gt3A_504, %squeeze3A_506, %select_n3A_498 : i32
    %slice3A_508 = vector.extract_strided_slice %max3A_380 {offsets = [14], sizes = [1], strides = [1]} : vector<16xf32> to vector<1xf32>
    %squeeze3A_509 = vector.extract %slice3A_508[0] : f32 from vector<1xf32>
    %select_n3A_510 = arith.select %gt3A_504, %squeeze3A_509, %select_n3A_501 : f32
    %slice3A_511 = vector.extract_strided_slice %max3A_380 {offsets = [15], sizes = [1], strides = [1]} : vector<16xf32> to vector<1xf32>
    %squeeze3A_512 = vector.extract %slice3A_511[0] : f32 from vector<1xf32>
    %gt3A_513 = arith.cmpf ogt, %squeeze3A_512, %select_n3A_510 : f32
    %slice3A_514 = vector.extract_strided_slice %select_n3A_379 {offsets = [15], sizes = [1], strides = [1]} : vector<16xi32> to vector<1xi32>
    %squeeze3A_515 = vector.extract %slice3A_514[0] : i32 from vector<1xi32>
    %select_n3A_516 = arith.select %gt3A_513, %squeeze3A_515, %select_n3A_507 : i32
    %slice3A_517 = vector.extract_strided_slice %max3A_380 {offsets = [15], sizes = [1], strides = [1]} : vector<16xf32> to vector<1xf32>
    %squeeze3A_518 = vector.extract %slice3A_517[0] : f32 from vector<1xf32>
    %select_n3A_519 = arith.select %gt3A_513, %squeeze3A_518, %select_n3A_510 : f32
    %broadcast_in_dim3A_520 = vector.broadcast %select_n3A_516 : i32 to vector<16xi32>
    %swap3A_521 = arith.constant 1 : i32
    %swap3A_522 = arith.index_cast %swap3A_521 : i32 to index
    %swap3A_523 = arith.constant 0 : index
    %swap3A_524 = tpu.vector_load %arg5[%swap3A_522, %swap3A_523] {strides = array<i32>} : memref<4x16xi32, #tpu.memory_space<vmem>>, vector<1x16xi32>,
    %swap3A_525 = vector.shape_cast %swap3A_524 : vector<1x16xi32> to vector<16xi32>
    %swap3A_526 = vector.shape_cast %broadcast_in_dim3A_520 : vector<16xi32> to vector<1x16xi32>
    tpu.vector_store %arg5[%swap3A_522, %swap3A_523], %swap3A_526 {strides = array<i32>} : memref<4x16xi32, #tpu.memory_space<vmem>>, vector<1x16xi32>,
    %add3A_527 = arith.constant 2 : i32
    %add3A_528 = arith.addi %mul3A_2, %add3A_527 : i32
    %add3A_529 = arith.constant 1 : i32
    %add3A_530 = arith.addi %add3A_528, %add3A_529 : i32
    %dma_start3A_531 = arith.constant 1 : i32
    %dma_start3A_532 = arith.constant 0 : i32
    %dma_start3A_533 = arith.constant 0 : i32
    %dma_start3A_534 = tpu.memref_slice %arg4[%dma_start3A_531, %dma_start3A_532, %dma_start3A_533] : memref<2x1x32768xf32, #tpu.memory_space<vmem>> -> memref<1x1x32768xf32, #tpu.memory_space<vmem>>
    %dma_start3A_535 = tpu.memref_squeeze %dma_start3A_534 : memref<1x1x32768xf32, #tpu.memory_space<vmem>> -> memref<1x32768xf32, #tpu.memory_space<vmem>>
    %dma_start3A_536 = arith.constant 0 : i32
    %dma_start3A_537 = tpu.memref_slice %arg2[%add3A_530, %dma_start3A_536] : memref<128x32768xf32, #tpu.memory_space<hbm>> -> memref<1x32768xf32, #tpu.memory_space<hbm>>
    %dma_start3A_538 = arith.constant 0 : i32
    %dma_start3A_539 = arith.constant 0 : i32
    %dma_start3A_540 = tpu.memref_slice %arg4[%dma_start3A_531, %dma_start3A_538, %dma_start3A_539] : memref<2x1x32768xf32, #tpu.memory_space<vmem>> -> memref<1x1x32768xf32, #tpu.memory_space<vmem>>
    %dma_start3A_541 = tpu.memref_squeeze %dma_start3A_540 : memref<1x1x32768xf32, #tpu.memory_space<vmem>> -> memref<1x32768xf32, #tpu.memory_space<vmem>>
    %dma_start3A_542 = arith.constant 0 : i32
    %dma_start3A_543 = tpu.memref_slice %arg2[%add3A_530, %dma_start3A_542] : memref<128x32768xf32, #tpu.memory_space<hbm>> -> memref<1x32768xf32, #tpu.memory_space<hbm>>
    tpu.enqueue_dma source(%dma_start3A_543 : memref<1x32768xf32, #tpu.memory_space<hbm>>) target(%dma_start3A_541 : memref<1x32768xf32, #tpu.memory_space<vmem>>) target_semaphore(%arg6 : memref<!tpu.dma_semaphore, #tpu.memory_space<semaphore_mem>>)
    %dma_wait3A_544 = arith.constant 0 : i32
    %dma_wait3A_545 = arith.constant 0 : i32
    %dma_wait3A_546 = arith.constant 0 : i32
    %dma_wait3A_547 = tpu.memref_slice %arg4[%dma_wait3A_544, %dma_wait3A_545, %dma_wait3A_546] : memref<2x1x32768xf32, #tpu.memory_space<vmem>> -> memref<1x1x32768xf32, #tpu.memory_space<vmem>>
    %dma_wait3A_548 = tpu.memref_squeeze %dma_wait3A_547 : memref<1x1x32768xf32, #tpu.memory_space<vmem>> -> memref<1x32768xf32, #tpu.memory_space<vmem>>
    %dma_wait3A_549 = arith.constant 0 : i32
    %dma_wait3A_550 = tpu.memref_slice %arg2[%add3A_269, %dma_wait3A_549] : memref<128x32768xf32, #tpu.memory_space<hbm>> -> memref<1x32768xf32, #tpu.memory_space<hbm>>
    %dma_wait3A_551 = arith.constant 0 : i32
    %dma_wait3A_552 = arith.constant 0 : i32
    %dma_wait3A_553 = tpu.memref_slice %arg4[%dma_wait3A_544, %dma_wait3A_551, %dma_wait3A_552] : memref<2x1x32768xf32, #tpu.memory_space<vmem>> -> memref<1x1x32768xf32, #tpu.memory_space<vmem>>
    %dma_wait3A_554 = tpu.memref_squeeze %dma_wait3A_553 : memref<1x1x32768xf32, #tpu.memory_space<vmem>> -> memref<1x32768xf32, #tpu.memory_space<vmem>>
    %dma_wait3A_555 = arith.constant 0 : i32
    %dma_wait3A_556 = tpu.memref_slice %arg2[%add3A_269, %dma_wait3A_555] : memref<128x32768xf32, #tpu.memory_space<hbm>> -> memref<1x32768xf32, #tpu.memory_space<hbm>>
    tpu.wait_dma2 semaphore(%arg6 : memref<!tpu.dma_semaphore, #tpu.memory_space<semaphore_mem>>) src(%dma_wait3A_556 : memref<1x32768xf32, #tpu.memory_space<hbm>>) dst(%dma_wait3A_554 : memref<1x32768xf32, #tpu.memory_space<vmem>>)
    %broadcast_in_dim3A_557 = arith.constant 0xFF800000 : f32
    %broadcast_in_dim3A_558 = vector.broadcast %broadcast_in_dim3A_557 : f32 to vector<16xf32>
    %broadcast_in_dim3A_559 = arith.constant 0 : i32
    %broadcast_in_dim3A_560 = vector.broadcast %broadcast_in_dim3A_559 : i32 to vector<16xi32>
    %scan3A_561 = arith.constant 0 : i32
    %scan3A_562 = arith.constant 256 : i32
    %scan3A_563 = arith.addi %scan3A_561, %scan3A_562 : i32
    %scan3A_564 = arith.constant 1 : i32
    %scan3A_565:16 = scf.for %scan3A_1032 = %scan3A_561 to %scan3A_563 step %scan3A_564 iter_args(%scan3A_1033 = %broadcast_in_dim3A_558, %scan3A_1034 = %broadcast_in_dim3A_558, %scan3A_1035 = %broadcast_in_dim3A_558, %scan3A_1036 = %broadcast_in_dim3A_558, %scan3A_1037 = %broadcast_in_dim3A_558, %scan3A_1038 = %broadcast_in_dim3A_558, %scan3A_1039 = %broadcast_in_dim3A_558, %scan3A_1040 = %broadcast_in_dim3A_558, %scan3A_1041 = %broadcast_in_dim3A_560, %scan3A_1042 = %broadcast_in_dim3A_560, %scan3A_1043 = %broadcast_in_dim3A_560, %scan3A_1044 = %broadcast_in_dim3A_560, %scan3A_1045 = %broadcast_in_dim3A_560, %scan3A_1046 = %broadcast_in_dim3A_560, %scan3A_1047 = %broadcast_in_dim3A_560, %scan3A_1048 = %broadcast_in_dim3A_560) -> (vector<16xf32>, vector<16xf32>, vector<16xf32>, vector<16xf32>, vector<16xf32>, vector<16xf32>, vector<16xf32>, vector<16xf32>, vector<16xi32>, vector<16xi32>, vector<16xi32>, vector<16xi32>, vector<16xi32>, vector<16xi32>, vector<16xi32>, vector<16xi32>)  : i32 {
      %broadcast_in_dim3A_1049 = arith.constant 0 : i32
      %broadcast_in_dim3A_1050 = vector.broadcast %broadcast_in_dim3A_1049 : i32 to vector<16xi32>
      %add3A_1051 = vector.broadcast %scan3A_1032 : i32 to vector<16xi32>
      %add3A_1052 = arith.addi %broadcast_in_dim3A_1050, %add3A_1051 : vector<16xi32>
      %mul3A_1053 = arith.constant 8 : i32
      %mul3A_1054 = arith.muli %scan3A_1032, %mul3A_1053 : i32
      %add3A_1055 = arith.constant 0 : i32
      %add3A_1056 = arith.addi %mul3A_1054, %add3A_1055 : i32
      %mul3A_1057 = arith.constant 16 : i32
      %mul3A_1058 = arith.muli %add3A_1056, %mul3A_1057 : i32
      %get3A = arith.constant 0 : i32
      %get3A_1059 = arith.constant 0 : i32
      %get3A_1060 = arith.index_cast %get3A : i32 to index
      %get3A_1061 = arith.index_cast %get3A_1059 : i32 to index
      %get3A_1062 = arith.index_cast %mul3A_1058 : i32 to index
      %get3A_1063 = tpu.vector_load %arg4[%get3A_1060, %get3A_1061, %get3A_1062] {strides = array<i32>} : memref<2x1x32768xf32, #tpu.memory_space<vmem>>, vector<1x1x16xf32>,
      %get3A_1064 = vector.shape_cast %get3A_1063 : vector<1x1x16xf32> to vector<16xf32>
      %gt3A_1065 = arith.cmpf ogt, %get3A_1064, %scan3A_1033 : vector<16xf32>
      %max3A_1066 = arith.maximumf %scan3A_1033, %get3A_1064 : vector<16xf32>
      %select_n3A_1067 = arith.select %gt3A_1065, %add3A_1052, %scan3A_1041 : vector<16xi1>, vector<16xi32>
      %mul3A_1068 = arith.constant 8 : i32
      %mul3A_1069 = arith.muli %scan3A_1032, %mul3A_1068 : i32
      %add3A_1070 = arith.constant 1 : i32
      %add3A_1071 = arith.addi %mul3A_1069, %add3A_1070 : i32
      %mul3A_1072 = arith.constant 16 : i32
      %mul3A_1073 = arith.muli %add3A_1071, %mul3A_1072 : i32
      %get3A_1074 = arith.constant 0 : i32
      %get3A_1075 = arith.constant 0 : i32
      %get3A_1076 = arith.index_cast %get3A_1074 : i32 to index
      %get3A_1077 = arith.index_cast %get3A_1075 : i32 to index
      %get3A_1078 = arith.index_cast %mul3A_1073 : i32 to index
      %get3A_1079 = tpu.vector_load %arg4[%get3A_1076, %get3A_1077, %get3A_1078] {strides = array<i32>} : memref<2x1x32768xf32, #tpu.memory_space<vmem>>, vector<1x1x16xf32>,
      %get3A_1080 = vector.shape_cast %get3A_1079 : vector<1x1x16xf32> to vector<16xf32>
      %gt3A_1081 = arith.cmpf ogt, %get3A_1080, %scan3A_1034 : vector<16xf32>
      %max3A_1082 = arith.maximumf %scan3A_1034, %get3A_1080 : vector<16xf32>
      %select_n3A_1083 = arith.select %gt3A_1081, %add3A_1052, %scan3A_1042 : vector<16xi1>, vector<16xi32>
      %mul3A_1084 = arith.constant 8 : i32
      %mul3A_1085 = arith.muli %scan3A_1032, %mul3A_1084 : i32
      %add3A_1086 = arith.constant 2 : i32
      %add3A_1087 = arith.addi %mul3A_1085, %add3A_1086 : i32
      %mul3A_1088 = arith.constant 16 : i32
      %mul3A_1089 = arith.muli %add3A_1087, %mul3A_1088 : i32
      %get3A_1090 = arith.constant 0 : i32
      %get3A_1091 = arith.constant 0 : i32
      %get3A_1092 = arith.index_cast %get3A_1090 : i32 to index
      %get3A_1093 = arith.index_cast %get3A_1091 : i32 to index
      %get3A_1094 = arith.index_cast %mul3A_1089 : i32 to index
      %get3A_1095 = tpu.vector_load %arg4[%get3A_1092, %get3A_1093, %get3A_1094] {strides = array<i32>} : memref<2x1x32768xf32, #tpu.memory_space<vmem>>, vector<1x1x16xf32>,
      %get3A_1096 = vector.shape_cast %get3A_1095 : vector<1x1x16xf32> to vector<16xf32>
      %gt3A_1097 = arith.cmpf ogt, %get3A_1096, %scan3A_1035 : vector<16xf32>
      %max3A_1098 = arith.maximumf %scan3A_1035, %get3A_1096 : vector<16xf32>
      %select_n3A_1099 = arith.select %gt3A_1097, %add3A_1052, %scan3A_1043 : vector<16xi1>, vector<16xi32>
      %mul3A_1100 = arith.constant 8 : i32
      %mul3A_1101 = arith.muli %scan3A_1032, %mul3A_1100 : i32
      %add3A_1102 = arith.constant 3 : i32
      %add3A_1103 = arith.addi %mul3A_1101, %add3A_1102 : i32
      %mul3A_1104 = arith.constant 16 : i32
      %mul3A_1105 = arith.muli %add3A_1103, %mul3A_1104 : i32
      %get3A_1106 = arith.constant 0 : i32
      %get3A_1107 = arith.constant 0 : i32
      %get3A_1108 = arith.index_cast %get3A_1106 : i32 to index
      %get3A_1109 = arith.index_cast %get3A_1107 : i32 to index
      %get3A_1110 = arith.index_cast %mul3A_1105 : i32 to index
      %get3A_1111 = tpu.vector_load %arg4[%get3A_1108, %get3A_1109, %get3A_1110] {strides = array<i32>} : memref<2x1x32768xf32, #tpu.memory_space<vmem>>, vector<1x1x16xf32>,
      %get3A_1112 = vector.shape_cast %get3A_1111 : vector<1x1x16xf32> to vector<16xf32>
      %gt3A_1113 = arith.cmpf ogt, %get3A_1112, %scan3A_1036 : vector<16xf32>
      %max3A_1114 = arith.maximumf %scan3A_1036, %get3A_1112 : vector<16xf32>
      %select_n3A_1115 = arith.select %gt3A_1113, %add3A_1052, %scan3A_1044 : vector<16xi1>, vector<16xi32>
      %mul3A_1116 = arith.constant 8 : i32
      %mul3A_1117 = arith.muli %scan3A_1032, %mul3A_1116 : i32
      %add3A_1118 = arith.constant 4 : i32
      %add3A_1119 = arith.addi %mul3A_1117, %add3A_1118 : i32
      %mul3A_1120 = arith.constant 16 : i32
      %mul3A_1121 = arith.muli %add3A_1119, %mul3A_1120 : i32
      %get3A_1122 = arith.constant 0 : i32
      %get3A_1123 = arith.constant 0 : i32
      %get3A_1124 = arith.index_cast %get3A_1122 : i32 to index
      %get3A_1125 = arith.index_cast %get3A_1123 : i32 to index
      %get3A_1126 = arith.index_cast %mul3A_1121 : i32 to index
      %get3A_1127 = tpu.vector_load %arg4[%get3A_1124, %get3A_1125, %get3A_1126] {strides = array<i32>} : memref<2x1x32768xf32, #tpu.memory_space<vmem>>, vector<1x1x16xf32>,
      %get3A_1128 = vector.shape_cast %get3A_1127 : vector<1x1x16xf32> to vector<16xf32>
      %gt3A_1129 = arith.cmpf ogt, %get3A_1128, %scan3A_1037 : vector<16xf32>
      %max3A_1130 = arith.maximumf %scan3A_1037, %get3A_1128 : vector<16xf32>
      %select_n3A_1131 = arith.select %gt3A_1129, %add3A_1052, %scan3A_1045 : vector<16xi1>, vector<16xi32>
      %mul3A_1132 = arith.constant 8 : i32
      %mul3A_1133 = arith.muli %scan3A_1032, %mul3A_1132 : i32
      %add3A_1134 = arith.constant 5 : i32
      %add3A_1135 = arith.addi %mul3A_1133, %add3A_1134 : i32
      %mul3A_1136 = arith.constant 16 : i32
      %mul3A_1137 = arith.muli %add3A_1135, %mul3A_1136 : i32
      %get3A_1138 = arith.constant 0 : i32
      %get3A_1139 = arith.constant 0 : i32
      %get3A_1140 = arith.index_cast %get3A_1138 : i32 to index
      %get3A_1141 = arith.index_cast %get3A_1139 : i32 to index
      %get3A_1142 = arith.index_cast %mul3A_1137 : i32 to index
      %get3A_1143 = tpu.vector_load %arg4[%get3A_1140, %get3A_1141, %get3A_1142] {strides = array<i32>} : memref<2x1x32768xf32, #tpu.memory_space<vmem>>, vector<1x1x16xf32>,
      %get3A_1144 = vector.shape_cast %get3A_1143 : vector<1x1x16xf32> to vector<16xf32>
      %gt3A_1145 = arith.cmpf ogt, %get3A_1144, %scan3A_1038 : vector<16xf32>
      %max3A_1146 = arith.maximumf %scan3A_1038, %get3A_1144 : vector<16xf32>
      %select_n3A_1147 = arith.select %gt3A_1145, %add3A_1052, %scan3A_1046 : vector<16xi1>, vector<16xi32>
      %mul3A_1148 = arith.constant 8 : i32
      %mul3A_1149 = arith.muli %scan3A_1032, %mul3A_1148 : i32
      %add3A_1150 = arith.constant 6 : i32
      %add3A_1151 = arith.addi %mul3A_1149, %add3A_1150 : i32
      %mul3A_1152 = arith.constant 16 : i32
      %mul3A_1153 = arith.muli %add3A_1151, %mul3A_1152 : i32
      %get3A_1154 = arith.constant 0 : i32
      %get3A_1155 = arith.constant 0 : i32
      %get3A_1156 = arith.index_cast %get3A_1154 : i32 to index
      %get3A_1157 = arith.index_cast %get3A_1155 : i32 to index
      %get3A_1158 = arith.index_cast %mul3A_1153 : i32 to index
      %get3A_1159 = tpu.vector_load %arg4[%get3A_1156, %get3A_1157, %get3A_1158] {strides = array<i32>} : memref<2x1x32768xf32, #tpu.memory_space<vmem>>, vector<1x1x16xf32>,
      %get3A_1160 = vector.shape_cast %get3A_1159 : vector<1x1x16xf32> to vector<16xf32>
      %gt3A_1161 = arith.cmpf ogt, %get3A_1160, %scan3A_1039 : vector<16xf32>
      %max3A_1162 = arith.maximumf %scan3A_1039, %get3A_1160 : vector<16xf32>
      %select_n3A_1163 = arith.select %gt3A_1161, %add3A_1052, %scan3A_1047 : vector<16xi1>, vector<16xi32>
      %mul3A_1164 = arith.constant 8 : i32
      %mul3A_1165 = arith.muli %scan3A_1032, %mul3A_1164 : i32
      %add3A_1166 = arith.constant 7 : i32
      %add3A_1167 = arith.addi %mul3A_1165, %add3A_1166 : i32
      %mul3A_1168 = arith.constant 16 : i32
      %mul3A_1169 = arith.muli %add3A_1167, %mul3A_1168 : i32
      %get3A_1170 = arith.constant 0 : i32
      %get3A_1171 = arith.constant 0 : i32
      %get3A_1172 = arith.index_cast %get3A_1170 : i32 to index
      %get3A_1173 = arith.index_cast %get3A_1171 : i32 to index
      %get3A_1174 = arith.index_cast %mul3A_1169 : i32 to index
      %get3A_1175 = tpu.vector_load %arg4[%get3A_1172, %get3A_1173, %get3A_1174] {strides = array<i32>} : memref<2x1x32768xf32, #tpu.memory_space<vmem>>, vector<1x1x16xf32>,
      %get3A_1176 = vector.shape_cast %get3A_1175 : vector<1x1x16xf32> to vector<16xf32>
      %gt3A_1177 = arith.cmpf ogt, %get3A_1176, %scan3A_1040 : vector<16xf32>
      %max3A_1178 = arith.maximumf %scan3A_1040, %get3A_1176 : vector<16xf32>
      %select_n3A_1179 = arith.select %gt3A_1177, %add3A_1052, %scan3A_1048 : vector<16xi1>, vector<16xi32>
      scf.yield %max3A_1066, %max3A_1082, %max3A_1098, %max3A_1114, %max3A_1130, %max3A_1146, %max3A_1162, %max3A_1178, %select_n3A_1067, %select_n3A_1083, %select_n3A_1099, %select_n3A_1115, %select_n3A_1131, %select_n3A_1147, %select_n3A_1163, %select_n3A_1179 : vector<16xf32>, vector<16xf32>, vector<16xf32>, vector<16xf32>, vector<16xf32>, vector<16xf32>, vector<16xf32>, vector<16xf32>, vector<16xi32>, vector<16xi32>, vector<16xi32>, vector<16xi32>, vector<16xi32>, vector<16xi32>, vector<16xi32>, vector<16xi32>
    }
    %scan3A_566 = arith.constant 256 : i32
    %iota3A_567 = tpu.iota {dimensions = array<i32: 0>} : vector<16xi32>
    %mul3A_568 = arith.constant 128 : i32
    %mul3A_569 = vector.broadcast %mul3A_568 : i32 to vector<16xi32>
    %mul3A_570 = arith.muli %scan3A_565#8, %mul3A_569 : vector<16xi32>
    %add3A_571 = arith.addi %mul3A_570, %iota3A_567 : vector<16xi32>
    %mul3A_572 = arith.constant 128 : i32
    %mul3A_573 = vector.broadcast %mul3A_572 : i32 to vector<16xi32>
    %mul3A_574 = arith.muli %scan3A_565#9, %mul3A_573 : vector<16xi32>
    %add3A_575 = arith.constant 16 : i32
    %add3A_576 = vector.broadcast %add3A_575 : i32 to vector<16xi32>
    %add3A_577 = arith.addi %mul3A_574, %add3A_576 : vector<16xi32>
    %add3A_578 = arith.addi %add3A_577, %iota3A_567 : vector<16xi32>
    %gt3A_579 = arith.cmpf ogt, %scan3A_565#1, %scan3A_565#0 : vector<16xf32>
    %select_n3A_580 = arith.select %gt3A_579, %add3A_578, %add3A_571 : vector<16xi1>, vector<16xi32>
    %max3A_581 = arith.maximumf %scan3A_565#0, %scan3A_565#1 : vector<16xf32>
    %mul3A_582 = arith.constant 128 : i32
    %mul3A_583 = vector.broadcast %mul3A_582 : i32 to vector<16xi32>
    %mul3A_584 = arith.muli %scan3A_565#10, %mul3A_583 : vector<16xi32>
    %add3A_585 = arith.constant 32 : i32
    %add3A_586 = vector.broadcast %add3A_585 : i32 to vector<16xi32>
    %add3A_587 = arith.addi %mul3A_584, %add3A_586 : vector<16xi32>
    %add3A_588 = arith.addi %add3A_587, %iota3A_567 : vector<16xi32>
    %gt3A_589 = arith.cmpf ogt, %scan3A_565#2, %max3A_581 : vector<16xf32>
    %select_n3A_590 = arith.select %gt3A_589, %add3A_588, %select_n3A_580 : vector<16xi1>, vector<16xi32>
    %max3A_591 = arith.maximumf %max3A_581, %scan3A_565#2 : vector<16xf32>
    %mul3A_592 = arith.constant 128 : i32
    %mul3A_593 = vector.broadcast %mul3A_592 : i32 to vector<16xi32>
    %mul3A_594 = arith.muli %scan3A_565#11, %mul3A_593 : vector<16xi32>
    %add3A_595 = arith.constant 48 : i32
    %add3A_596 = vector.broadcast %add3A_595 : i32 to vector<16xi32>
    %add3A_597 = arith.addi %mul3A_594, %add3A_596 : vector<16xi32>
    %add3A_598 = arith.addi %add3A_597, %iota3A_567 : vector<16xi32>
    %gt3A_599 = arith.cmpf ogt, %scan3A_565#3, %max3A_591 : vector<16xf32>
    %select_n3A_600 = arith.select %gt3A_599, %add3A_598, %select_n3A_590 : vector<16xi1>, vector<16xi32>
    %max3A_601 = arith.maximumf %max3A_591, %scan3A_565#3 : vector<16xf32>
    %mul3A_602 = arith.constant 128 : i32
    %mul3A_603 = vector.broadcast %mul3A_602 : i32 to vector<16xi32>
    %mul3A_604 = arith.muli %scan3A_565#12, %mul3A_603 : vector<16xi32>
    %add3A_605 = arith.constant 64 : i32
    %add3A_606 = vector.broadcast %add3A_605 : i32 to vector<16xi32>
    %add3A_607 = arith.addi %mul3A_604, %add3A_606 : vector<16xi32>
    %add3A_608 = arith.addi %add3A_607, %iota3A_567 : vector<16xi32>
    %gt3A_609 = arith.cmpf ogt, %scan3A_565#4, %max3A_601 : vector<16xf32>
    %select_n3A_610 = arith.select %gt3A_609, %add3A_608, %select_n3A_600 : vector<16xi1>, vector<16xi32>
    %max3A_611 = arith.maximumf %max3A_601, %scan3A_565#4 : vector<16xf32>
    %mul3A_612 = arith.constant 128 : i32
    %mul3A_613 = vector.broadcast %mul3A_612 : i32 to vector<16xi32>
    %mul3A_614 = arith.muli %scan3A_565#13, %mul3A_613 : vector<16xi32>
    %add3A_615 = arith.constant 80 : i32
    %add3A_616 = vector.broadcast %add3A_615 : i32 to vector<16xi32>
    %add3A_617 = arith.addi %mul3A_614, %add3A_616 : vector<16xi32>
    %add3A_618 = arith.addi %add3A_617, %iota3A_567 : vector<16xi32>
    %gt3A_619 = arith.cmpf ogt, %scan3A_565#5, %max3A_611 : vector<16xf32>
    %select_n3A_620 = arith.select %gt3A_619, %add3A_618, %select_n3A_610 : vector<16xi1>, vector<16xi32>
    %max3A_621 = arith.maximumf %max3A_611, %scan3A_565#5 : vector<16xf32>
    %mul3A_622 = arith.constant 128 : i32
    %mul3A_623 = vector.broadcast %mul3A_622 : i32 to vector<16xi32>
    %mul3A_624 = arith.muli %scan3A_565#14, %mul3A_623 : vector<16xi32>
    %add3A_625 = arith.constant 96 : i32
    %add3A_626 = vector.broadcast %add3A_625 : i32 to vector<16xi32>
    %add3A_627 = arith.addi %mul3A_624, %add3A_626 : vector<16xi32>
    %add3A_628 = arith.addi %add3A_627, %iota3A_567 : vector<16xi32>
    %gt3A_629 = arith.cmpf ogt, %scan3A_565#6, %max3A_621 : vector<16xf32>
    %select_n3A_630 = arith.select %gt3A_629, %add3A_628, %select_n3A_620 : vector<16xi1>, vector<16xi32>
    %max3A_631 = arith.maximumf %max3A_621, %scan3A_565#6 : vector<16xf32>
    %mul3A_632 = arith.constant 128 : i32
    %mul3A_633 = vector.broadcast %mul3A_632 : i32 to vector<16xi32>
    %mul3A_634 = arith.muli %scan3A_565#15, %mul3A_633 : vector<16xi32>
    %add3A_635 = arith.constant 112 : i32
    %add3A_636 = vector.broadcast %add3A_635 : i32 to vector<16xi32>
    %add3A_637 = arith.addi %mul3A_634, %add3A_636 : vector<16xi32>
    %add3A_638 = arith.addi %add3A_637, %iota3A_567 : vector<16xi32>
    %gt3A_639 = arith.cmpf ogt, %scan3A_565#7, %max3A_631 : vector<16xf32>
    %select_n3A_640 = arith.select %gt3A_639, %add3A_638, %select_n3A_630 : vector<16xi1>, vector<16xi32>
    %max3A_641 = arith.maximumf %max3A_631, %scan3A_565#7 : vector<16xf32>
    %slice3A_642 = vector.extract_strided_slice %max3A_641 {offsets = [0], sizes = [1], strides = [1]} : vector<16xf32> to vector<1xf32>
    %squeeze3A_643 = vector.extract %slice3A_642[0] : f32 from vector<1xf32>
    %slice3A_644 = vector.extract_strided_slice %select_n3A_640 {offsets = [0], sizes = [1], strides = [1]} : vector<16xi32> to vector<1xi32>
    %squeeze3A_645 = vector.extract %slice3A_644[0] : i32 from vector<1xi32>
    %slice3A_646 = vector.extract_strided_slice %max3A_641 {offsets = [1], sizes = [1], strides = [1]} : vector<16xf32> to vector<1xf32>
    %squeeze3A_647 = vector.extract %slice3A_646[0] : f32 from vector<1xf32>
    %gt3A_648 = arith.cmpf ogt, %squeeze3A_647, %squeeze3A_643 : f32
    %slice3A_649 = vector.extract_strided_slice %select_n3A_640 {offsets = [1], sizes = [1], strides = [1]} : vector<16xi32> to vector<1xi32>
    %squeeze3A_650 = vector.extract %slice3A_649[0] : i32 from vector<1xi32>
    %select_n3A_651 = arith.select %gt3A_648, %squeeze3A_650, %squeeze3A_645 : i32
    %slice3A_652 = vector.extract_strided_slice %max3A_641 {offsets = [1], sizes = [1], strides = [1]} : vector<16xf32> to vector<1xf32>
    %squeeze3A_653 = vector.extract %slice3A_652[0] : f32 from vector<1xf32>
    %select_n3A_654 = arith.select %gt3A_648, %squeeze3A_653, %squeeze3A_643 : f32
    %slice3A_655 = vector.extract_strided_slice %max3A_641 {offsets = [2], sizes = [1], strides = [1]} : vector<16xf32> to vector<1xf32>
    %squeeze3A_656 = vector.extract %slice3A_655[0] : f32 from vector<1xf32>
    %gt3A_657 = arith.cmpf ogt, %squeeze3A_656, %select_n3A_654 : f32
    %slice3A_658 = vector.extract_strided_slice %select_n3A_640 {offsets = [2], sizes = [1], strides = [1]} : vector<16xi32> to vector<1xi32>
    %squeeze3A_659 = vector.extract %slice3A_658[0] : i32 from vector<1xi32>
    %select_n3A_660 = arith.select %gt3A_657, %squeeze3A_659, %select_n3A_651 : i32
    %slice3A_661 = vector.extract_strided_slice %max3A_641 {offsets = [2], sizes = [1], strides = [1]} : vector<16xf32> to vector<1xf32>
    %squeeze3A_662 = vector.extract %slice3A_661[0] : f32 from vector<1xf32>
    %select_n3A_663 = arith.select %gt3A_657, %squeeze3A_662, %select_n3A_654 : f32
    %slice3A_664 = vector.extract_strided_slice %max3A_641 {offsets = [3], sizes = [1], strides = [1]} : vector<16xf32> to vector<1xf32>
    %squeeze3A_665 = vector.extract %slice3A_664[0] : f32 from vector<1xf32>
    %gt3A_666 = arith.cmpf ogt, %squeeze3A_665, %select_n3A_663 : f32
    %slice3A_667 = vector.extract_strided_slice %select_n3A_640 {offsets = [3], sizes = [1], strides = [1]} : vector<16xi32> to vector<1xi32>
    %squeeze3A_668 = vector.extract %slice3A_667[0] : i32 from vector<1xi32>
    %select_n3A_669 = arith.select %gt3A_666, %squeeze3A_668, %select_n3A_660 : i32
    %slice3A_670 = vector.extract_strided_slice %max3A_641 {offsets = [3], sizes = [1], strides = [1]} : vector<16xf32> to vector<1xf32>
    %squeeze3A_671 = vector.extract %slice3A_670[0] : f32 from vector<1xf32>
    %select_n3A_672 = arith.select %gt3A_666, %squeeze3A_671, %select_n3A_663 : f32
    %slice3A_673 = vector.extract_strided_slice %max3A_641 {offsets = [4], sizes = [1], strides = [1]} : vector<16xf32> to vector<1xf32>
    %squeeze3A_674 = vector.extract %slice3A_673[0] : f32 from vector<1xf32>
    %gt3A_675 = arith.cmpf ogt, %squeeze3A_674, %select_n3A_672 : f32
    %slice3A_676 = vector.extract_strided_slice %select_n3A_640 {offsets = [4], sizes = [1], strides = [1]} : vector<16xi32> to vector<1xi32>
    %squeeze3A_677 = vector.extract %slice3A_676[0] : i32 from vector<1xi32>
    %select_n3A_678 = arith.select %gt3A_675, %squeeze3A_677, %select_n3A_669 : i32
    %slice3A_679 = vector.extract_strided_slice %max3A_641 {offsets = [4], sizes = [1], strides = [1]} : vector<16xf32> to vector<1xf32>
    %squeeze3A_680 = vector.extract %slice3A_679[0] : f32 from vector<1xf32>
    %select_n3A_681 = arith.select %gt3A_675, %squeeze3A_680, %select_n3A_672 : f32
    %slice3A_682 = vector.extract_strided_slice %max3A_641 {offsets = [5], sizes = [1], strides = [1]} : vector<16xf32> to vector<1xf32>
    %squeeze3A_683 = vector.extract %slice3A_682[0] : f32 from vector<1xf32>
    %gt3A_684 = arith.cmpf ogt, %squeeze3A_683, %select_n3A_681 : f32
    %slice3A_685 = vector.extract_strided_slice %select_n3A_640 {offsets = [5], sizes = [1], strides = [1]} : vector<16xi32> to vector<1xi32>
    %squeeze3A_686 = vector.extract %slice3A_685[0] : i32 from vector<1xi32>
    %select_n3A_687 = arith.select %gt3A_684, %squeeze3A_686, %select_n3A_678 : i32
    %slice3A_688 = vector.extract_strided_slice %max3A_641 {offsets = [5], sizes = [1], strides = [1]} : vector<16xf32> to vector<1xf32>
    %squeeze3A_689 = vector.extract %slice3A_688[0] : f32 from vector<1xf32>
    %select_n3A_690 = arith.select %gt3A_684, %squeeze3A_689, %select_n3A_681 : f32
    %slice3A_691 = vector.extract_strided_slice %max3A_641 {offsets = [6], sizes = [1], strides = [1]} : vector<16xf32> to vector<1xf32>
    %squeeze3A_692 = vector.extract %slice3A_691[0] : f32 from vector<1xf32>
    %gt3A_693 = arith.cmpf ogt, %squeeze3A_692, %select_n3A_690 : f32
    %slice3A_694 = vector.extract_strided_slice %select_n3A_640 {offsets = [6], sizes = [1], strides = [1]} : vector<16xi32> to vector<1xi32>
    %squeeze3A_695 = vector.extract %slice3A_694[0] : i32 from vector<1xi32>
    %select_n3A_696 = arith.select %gt3A_693, %squeeze3A_695, %select_n3A_687 : i32
    %slice3A_697 = vector.extract_strided_slice %max3A_641 {offsets = [6], sizes = [1], strides = [1]} : vector<16xf32> to vector<1xf32>
    %squeeze3A_698 = vector.extract %slice3A_697[0] : f32 from vector<1xf32>
    %select_n3A_699 = arith.select %gt3A_693, %squeeze3A_698, %select_n3A_690 : f32
    %slice3A_700 = vector.extract_strided_slice %max3A_641 {offsets = [7], sizes = [1], strides = [1]} : vector<16xf32> to vector<1xf32>
    %squeeze3A_701 = vector.extract %slice3A_700[0] : f32 from vector<1xf32>
    %gt3A_702 = arith.cmpf ogt, %squeeze3A_701, %select_n3A_699 : f32
    %slice3A_703 = vector.extract_strided_slice %select_n3A_640 {offsets = [7], sizes = [1], strides = [1]} : vector<16xi32> to vector<1xi32>
    %squeeze3A_704 = vector.extract %slice3A_703[0] : i32 from vector<1xi32>
    %select_n3A_705 = arith.select %gt3A_702, %squeeze3A_704, %select_n3A_696 : i32
    %slice3A_706 = vector.extract_strided_slice %max3A_641 {offsets = [7], sizes = [1], strides = [1]} : vector<16xf32> to vector<1xf32>
    %squeeze3A_707 = vector.extract %slice3A_706[0] : f32 from vector<1xf32>
    %select_n3A_708 = arith.select %gt3A_702, %squeeze3A_707, %select_n3A_699 : f32
    %slice3A_709 = vector.extract_strided_slice %max3A_641 {offsets = [8], sizes = [1], strides = [1]} : vector<16xf32> to vector<1xf32>
    %squeeze3A_710 = vector.extract %slice3A_709[0] : f32 from vector<1xf32>
    %gt3A_711 = arith.cmpf ogt, %squeeze3A_710, %select_n3A_708 : f32
    %slice3A_712 = vector.extract_strided_slice %select_n3A_640 {offsets = [8], sizes = [1], strides = [1]} : vector<16xi32> to vector<1xi32>
    %squeeze3A_713 = vector.extract %slice3A_712[0] : i32 from vector<1xi32>
    %select_n3A_714 = arith.select %gt3A_711, %squeeze3A_713, %select_n3A_705 : i32
    %slice3A_715 = vector.extract_strided_slice %max3A_641 {offsets = [8], sizes = [1], strides = [1]} : vector<16xf32> to vector<1xf32>
    %squeeze3A_716 = vector.extract %slice3A_715[0] : f32 from vector<1xf32>
    %select_n3A_717 = arith.select %gt3A_711, %squeeze3A_716, %select_n3A_708 : f32
    %slice3A_718 = vector.extract_strided_slice %max3A_641 {offsets = [9], sizes = [1], strides = [1]} : vector<16xf32> to vector<1xf32>
    %squeeze3A_719 = vector.extract %slice3A_718[0] : f32 from vector<1xf32>
    %gt3A_720 = arith.cmpf ogt, %squeeze3A_719, %select_n3A_717 : f32
    %slice3A_721 = vector.extract_strided_slice %select_n3A_640 {offsets = [9], sizes = [1], strides = [1]} : vector<16xi32> to vector<1xi32>
    %squeeze3A_722 = vector.extract %slice3A_721[0] : i32 from vector<1xi32>
    %select_n3A_723 = arith.select %gt3A_720, %squeeze3A_722, %select_n3A_714 : i32
    %slice3A_724 = vector.extract_strided_slice %max3A_641 {offsets = [9], sizes = [1], strides = [1]} : vector<16xf32> to vector<1xf32>
    %squeeze3A_725 = vector.extract %slice3A_724[0] : f32 from vector<1xf32>
    %select_n3A_726 = arith.select %gt3A_720, %squeeze3A_725, %select_n3A_717 : f32
    %slice3A_727 = vector.extract_strided_slice %max3A_641 {offsets = [10], sizes = [1], strides = [1]} : vector<16xf32> to vector<1xf32>
    %squeeze3A_728 = vector.extract %slice3A_727[0] : f32 from vector<1xf32>
    %gt3A_729 = arith.cmpf ogt, %squeeze3A_728, %select_n3A_726 : f32
    %slice3A_730 = vector.extract_strided_slice %select_n3A_640 {offsets = [10], sizes = [1], strides = [1]} : vector<16xi32> to vector<1xi32>
    %squeeze3A_731 = vector.extract %slice3A_730[0] : i32 from vector<1xi32>
    %select_n3A_732 = arith.select %gt3A_729, %squeeze3A_731, %select_n3A_723 : i32
    %slice3A_733 = vector.extract_strided_slice %max3A_641 {offsets = [10], sizes = [1], strides = [1]} : vector<16xf32> to vector<1xf32>
    %squeeze3A_734 = vector.extract %slice3A_733[0] : f32 from vector<1xf32>
    %select_n3A_735 = arith.select %gt3A_729, %squeeze3A_734, %select_n3A_726 : f32
    %slice3A_736 = vector.extract_strided_slice %max3A_641 {offsets = [11], sizes = [1], strides = [1]} : vector<16xf32> to vector<1xf32>
    %squeeze3A_737 = vector.extract %slice3A_736[0] : f32 from vector<1xf32>
    %gt3A_738 = arith.cmpf ogt, %squeeze3A_737, %select_n3A_735 : f32
    %slice3A_739 = vector.extract_strided_slice %select_n3A_640 {offsets = [11], sizes = [1], strides = [1]} : vector<16xi32> to vector<1xi32>
    %squeeze3A_740 = vector.extract %slice3A_739[0] : i32 from vector<1xi32>
    %select_n3A_741 = arith.select %gt3A_738, %squeeze3A_740, %select_n3A_732 : i32
    %slice3A_742 = vector.extract_strided_slice %max3A_641 {offsets = [11], sizes = [1], strides = [1]} : vector<16xf32> to vector<1xf32>
    %squeeze3A_743 = vector.extract %slice3A_742[0] : f32 from vector<1xf32>
    %select_n3A_744 = arith.select %gt3A_738, %squeeze3A_743, %select_n3A_735 : f32
    %slice3A_745 = vector.extract_strided_slice %max3A_641 {offsets = [12], sizes = [1], strides = [1]} : vector<16xf32> to vector<1xf32>
    %squeeze3A_746 = vector.extract %slice3A_745[0] : f32 from vector<1xf32>
    %gt3A_747 = arith.cmpf ogt, %squeeze3A_746, %select_n3A_744 : f32
    %slice3A_748 = vector.extract_strided_slice %select_n3A_640 {offsets = [12], sizes = [1], strides = [1]} : vector<16xi32> to vector<1xi32>
    %squeeze3A_749 = vector.extract %slice3A_748[0] : i32 from vector<1xi32>
    %select_n3A_750 = arith.select %gt3A_747, %squeeze3A_749, %select_n3A_741 : i32
    %slice3A_751 = vector.extract_strided_slice %max3A_641 {offsets = [12], sizes = [1], strides = [1]} : vector<16xf32> to vector<1xf32>
    %squeeze3A_752 = vector.extract %slice3A_751[0] : f32 from vector<1xf32>
    %select_n3A_753 = arith.select %gt3A_747, %squeeze3A_752, %select_n3A_744 : f32
    %slice3A_754 = vector.extract_strided_slice %max3A_641 {offsets = [13], sizes = [1], strides = [1]} : vector<16xf32> to vector<1xf32>
    %squeeze3A_755 = vector.extract %slice3A_754[0] : f32 from vector<1xf32>
    %gt3A_756 = arith.cmpf ogt, %squeeze3A_755, %select_n3A_753 : f32
    %slice3A_757 = vector.extract_strided_slice %select_n3A_640 {offsets = [13], sizes = [1], strides = [1]} : vector<16xi32> to vector<1xi32>
    %squeeze3A_758 = vector.extract %slice3A_757[0] : i32 from vector<1xi32>
    %select_n3A_759 = arith.select %gt3A_756, %squeeze3A_758, %select_n3A_750 : i32
    %slice3A_760 = vector.extract_strided_slice %max3A_641 {offsets = [13], sizes = [1], strides = [1]} : vector<16xf32> to vector<1xf32>
    %squeeze3A_761 = vector.extract %slice3A_760[0] : f32 from vector<1xf32>
    %select_n3A_762 = arith.select %gt3A_756, %squeeze3A_761, %select_n3A_753 : f32
    %slice3A_763 = vector.extract_strided_slice %max3A_641 {offsets = [14], sizes = [1], strides = [1]} : vector<16xf32> to vector<1xf32>
    %squeeze3A_764 = vector.extract %slice3A_763[0] : f32 from vector<1xf32>
    %gt3A_765 = arith.cmpf ogt, %squeeze3A_764, %select_n3A_762 : f32
    %slice3A_766 = vector.extract_strided_slice %select_n3A_640 {offsets = [14], sizes = [1], strides = [1]} : vector<16xi32> to vector<1xi32>
    %squeeze3A_767 = vector.extract %slice3A_766[0] : i32 from vector<1xi32>
    %select_n3A_768 = arith.select %gt3A_765, %squeeze3A_767, %select_n3A_759 : i32
    %slice3A_769 = vector.extract_strided_slice %max3A_641 {offsets = [14], sizes = [1], strides = [1]} : vector<16xf32> to vector<1xf32>
    %squeeze3A_770 = vector.extract %slice3A_769[0] : f32 from vector<1xf32>
    %select_n3A_771 = arith.select %gt3A_765, %squeeze3A_770, %select_n3A_762 : f32
    %slice3A_772 = vector.extract_strided_slice %max3A_641 {offsets = [15], sizes = [1], strides = [1]} : vector<16xf32> to vector<1xf32>
    %squeeze3A_773 = vector.extract %slice3A_772[0] : f32 from vector<1xf32>
    %gt3A_774 = arith.cmpf ogt, %squeeze3A_773, %select_n3A_771 : f32
    %slice3A_775 = vector.extract_strided_slice %select_n3A_640 {offsets = [15], sizes = [1], strides = [1]} : vector<16xi32> to vector<1xi32>
    %squeeze3A_776 = vector.extract %slice3A_775[0] : i32 from vector<1xi32>
    %select_n3A_777 = arith.select %gt3A_774, %squeeze3A_776, %select_n3A_768 : i32
    %slice3A_778 = vector.extract_strided_slice %max3A_641 {offsets = [15], sizes = [1], strides = [1]} : vector<16xf32> to vector<1xf32>
    %squeeze3A_779 = vector.extract %slice3A_778[0] : f32 from vector<1xf32>
    %select_n3A_780 = arith.select %gt3A_774, %squeeze3A_779, %select_n3A_771 : f32
    %broadcast_in_dim3A_781 = vector.broadcast %select_n3A_777 : i32 to vector<16xi32>
    %swap3A_782 = arith.constant 2 : i32
    %swap3A_783 = arith.index_cast %swap3A_782 : i32 to index
    %swap3A_784 = arith.constant 0 : index
    %swap3A_785 = tpu.vector_load %arg5[%swap3A_783, %swap3A_784] {strides = array<i32>} : memref<4x16xi32, #tpu.memory_space<vmem>>, vector<1x16xi32>,
    %swap3A_786 = vector.shape_cast %swap3A_785 : vector<1x16xi32> to vector<16xi32>
    %swap3A_787 = vector.shape_cast %broadcast_in_dim3A_781 : vector<16xi32> to vector<1x16xi32>
    tpu.vector_store %arg5[%swap3A_783, %swap3A_784], %swap3A_787 {strides = array<i32>} : memref<4x16xi32, #tpu.memory_space<vmem>>, vector<1x16xi32>,
    %dma_wait3A_788 = arith.constant 1 : i32
    %dma_wait3A_789 = arith.constant 0 : i32
    %dma_wait3A_790 = arith.constant 0 : i32
    %dma_wait3A_791 = tpu.memref_slice %arg4[%dma_wait3A_788, %dma_wait3A_789, %dma_wait3A_790] : memref<2x1x32768xf32, #tpu.memory_space<vmem>> -> memref<1x1x32768xf32, #tpu.memory_space<vmem>>
    %dma_wait3A_792 = tpu.memref_squeeze %dma_wait3A_791 : memref<1x1x32768xf32, #tpu.memory_space<vmem>> -> memref<1x32768xf32, #tpu.memory_space<vmem>>
    %dma_wait3A_793 = arith.constant 0 : i32
    %dma_wait3A_794 = tpu.memref_slice %arg2[%add3A_530, %dma_wait3A_793] : memref<128x32768xf32, #tpu.memory_space<hbm>> -> memref<1x32768xf32, #tpu.memory_space<hbm>>
    %dma_wait3A_795 = arith.constant 0 : i32
    %dma_wait3A_796 = arith.constant 0 : i32
    %dma_wait3A_797 = tpu.memref_slice %arg4[%dma_wait3A_788, %dma_wait3A_795, %dma_wait3A_796] : memref<2x1x32768xf32, #tpu.memory_space<vmem>> -> memref<1x1x32768xf32, #tpu.memory_space<vmem>>
    %dma_wait3A_798 = tpu.memref_squeeze %dma_wait3A_797 : memref<1x1x32768xf32, #tpu.memory_space<vmem>> -> memref<1x32768xf32, #tpu.memory_space<vmem>>
    %dma_wait3A_799 = arith.constant 0 : i32
    %dma_wait3A_800 = tpu.memref_slice %arg2[%add3A_530, %dma_wait3A_799] : memref<128x32768xf32, #tpu.memory_space<hbm>> -> memref<1x32768xf32, #tpu.memory_space<hbm>>
    tpu.wait_dma2 semaphore(%arg6 : memref<!tpu.dma_semaphore, #tpu.memory_space<semaphore_mem>>) src(%dma_wait3A_800 : memref<1x32768xf32, #tpu.memory_space<hbm>>) dst(%dma_wait3A_798 : memref<1x32768xf32, #tpu.memory_space<vmem>>)
    %broadcast_in_dim3A_801 = arith.constant 0xFF800000 : f32
    %broadcast_in_dim3A_802 = vector.broadcast %broadcast_in_dim3A_801 : f32 to vector<16xf32>
    %broadcast_in_dim3A_803 = arith.constant 0 : i32
    %broadcast_in_dim3A_804 = vector.broadcast %broadcast_in_dim3A_803 : i32 to vector<16xi32>
    %scan3A_805 = arith.constant 0 : i32
    %scan3A_806 = arith.constant 256 : i32
    %scan3A_807 = arith.addi %scan3A_805, %scan3A_806 : i32
    %scan3A_808 = arith.constant 1 : i32
    %scan3A_809:16 = scf.for %scan3A_1032 = %scan3A_805 to %scan3A_807 step %scan3A_808 iter_args(%scan3A_1033 = %broadcast_in_dim3A_802, %scan3A_1034 = %broadcast_in_dim3A_802, %scan3A_1035 = %broadcast_in_dim3A_802, %scan3A_1036 = %broadcast_in_dim3A_802, %scan3A_1037 = %broadcast_in_dim3A_802, %scan3A_1038 = %broadcast_in_dim3A_802, %scan3A_1039 = %broadcast_in_dim3A_802, %scan3A_1040 = %broadcast_in_dim3A_802, %scan3A_1041 = %broadcast_in_dim3A_804, %scan3A_1042 = %broadcast_in_dim3A_804, %scan3A_1043 = %broadcast_in_dim3A_804, %scan3A_1044 = %broadcast_in_dim3A_804, %scan3A_1045 = %broadcast_in_dim3A_804, %scan3A_1046 = %broadcast_in_dim3A_804, %scan3A_1047 = %broadcast_in_dim3A_804, %scan3A_1048 = %broadcast_in_dim3A_804) -> (vector<16xf32>, vector<16xf32>, vector<16xf32>, vector<16xf32>, vector<16xf32>, vector<16xf32>, vector<16xf32>, vector<16xf32>, vector<16xi32>, vector<16xi32>, vector<16xi32>, vector<16xi32>, vector<16xi32>, vector<16xi32>, vector<16xi32>, vector<16xi32>)  : i32 {
      %broadcast_in_dim3A_1049 = arith.constant 0 : i32
      %broadcast_in_dim3A_1050 = vector.broadcast %broadcast_in_dim3A_1049 : i32 to vector<16xi32>
      %add3A_1051 = vector.broadcast %scan3A_1032 : i32 to vector<16xi32>
      %add3A_1052 = arith.addi %broadcast_in_dim3A_1050, %add3A_1051 : vector<16xi32>
      %mul3A_1053 = arith.constant 8 : i32
      %mul3A_1054 = arith.muli %scan3A_1032, %mul3A_1053 : i32
      %add3A_1055 = arith.constant 0 : i32
      %add3A_1056 = arith.addi %mul3A_1054, %add3A_1055 : i32
      %mul3A_1057 = arith.constant 16 : i32
      %mul3A_1058 = arith.muli %add3A_1056, %mul3A_1057 : i32
      %get3A = arith.constant 1 : i32
      %get3A_1059 = arith.constant 0 : i32
      %get3A_1060 = arith.index_cast %get3A : i32 to index
      %get3A_1061 = arith.index_cast %get3A_1059 : i32 to index
      %get3A_1062 = arith.index_cast %mul3A_1058 : i32 to index
      %get3A_1063 = tpu.vector_load %arg4[%get3A_1060, %get3A_1061, %get3A_1062] {strides = array<i32>} : memref<2x1x32768xf32, #tpu.memory_space<vmem>>, vector<1x1x16xf32>,
      %get3A_1064 = vector.shape_cast %get3A_1063 : vector<1x1x16xf32> to vector<16xf32>
      %gt3A_1065 = arith.cmpf ogt, %get3A_1064, %scan3A_1033 : vector<16xf32>
      %max3A_1066 = arith.maximumf %scan3A_1033, %get3A_1064 : vector<16xf32>
      %select_n3A_1067 = arith.select %gt3A_1065, %add3A_1052, %scan3A_1041 : vector<16xi1>, vector<16xi32>
      %mul3A_1068 = arith.constant 8 : i32
      %mul3A_1069 = arith.muli %scan3A_1032, %mul3A_1068 : i32
      %add3A_1070 = arith.constant 1 : i32
      %add3A_1071 = arith.addi %mul3A_1069, %add3A_1070 : i32
      %mul3A_1072 = arith.constant 16 : i32
      %mul3A_1073 = arith.muli %add3A_1071, %mul3A_1072 : i32
      %get3A_1074 = arith.constant 1 : i32
      %get3A_1075 = arith.constant 0 : i32
      %get3A_1076 = arith.index_cast %get3A_1074 : i32 to index
      %get3A_1077 = arith.index_cast %get3A_1075 : i32 to index
      %get3A_1078 = arith.index_cast %mul3A_1073 : i32 to index
      %get3A_1079 = tpu.vector_load %arg4[%get3A_1076, %get3A_1077, %get3A_1078] {strides = array<i32>} : memref<2x1x32768xf32, #tpu.memory_space<vmem>>, vector<1x1x16xf32>,
      %get3A_1080 = vector.shape_cast %get3A_1079 : vector<1x1x16xf32> to vector<16xf32>
      %gt3A_1081 = arith.cmpf ogt, %get3A_1080, %scan3A_1034 : vector<16xf32>
      %max3A_1082 = arith.maximumf %scan3A_1034, %get3A_1080 : vector<16xf32>
      %select_n3A_1083 = arith.select %gt3A_1081, %add3A_1052, %scan3A_1042 : vector<16xi1>, vector<16xi32>
      %mul3A_1084 = arith.constant 8 : i32
      %mul3A_1085 = arith.muli %scan3A_1032, %mul3A_1084 : i32
      %add3A_1086 = arith.constant 2 : i32
      %add3A_1087 = arith.addi %mul3A_1085, %add3A_1086 : i32
      %mul3A_1088 = arith.constant 16 : i32
      %mul3A_1089 = arith.muli %add3A_1087, %mul3A_1088 : i32
      %get3A_1090 = arith.constant 1 : i32
      %get3A_1091 = arith.constant 0 : i32
      %get3A_1092 = arith.index_cast %get3A_1090 : i32 to index
      %get3A_1093 = arith.index_cast %get3A_1091 : i32 to index
      %get3A_1094 = arith.index_cast %mul3A_1089 : i32 to index
      %get3A_1095 = tpu.vector_load %arg4[%get3A_1092, %get3A_1093, %get3A_1094] {strides = array<i32>} : memref<2x1x32768xf32, #tpu.memory_space<vmem>>, vector<1x1x16xf32>,
      %get3A_1096 = vector.shape_cast %get3A_1095 : vector<1x1x16xf32> to vector<16xf32>
      %gt3A_1097 = arith.cmpf ogt, %get3A_1096, %scan3A_1035 : vector<16xf32>
      %max3A_1098 = arith.maximumf %scan3A_1035, %get3A_1096 : vector<16xf32>
      %select_n3A_1099 = arith.select %gt3A_1097, %add3A_1052, %scan3A_1043 : vector<16xi1>, vector<16xi32>
      %mul3A_1100 = arith.constant 8 : i32
      %mul3A_1101 = arith.muli %scan3A_1032, %mul3A_1100 : i32
      %add3A_1102 = arith.constant 3 : i32
      %add3A_1103 = arith.addi %mul3A_1101, %add3A_1102 : i32
      %mul3A_1104 = arith.constant 16 : i32
      %mul3A_1105 = arith.muli %add3A_1103, %mul3A_1104 : i32
      %get3A_1106 = arith.constant 1 : i32
      %get3A_1107 = arith.constant 0 : i32
      %get3A_1108 = arith.index_cast %get3A_1106 : i32 to index
      %get3A_1109 = arith.index_cast %get3A_1107 : i32 to index
      %get3A_1110 = arith.index_cast %mul3A_1105 : i32 to index
      %get3A_1111 = tpu.vector_load %arg4[%get3A_1108, %get3A_1109, %get3A_1110] {strides = array<i32>} : memref<2x1x32768xf32, #tpu.memory_space<vmem>>, vector<1x1x16xf32>,
      %get3A_1112 = vector.shape_cast %get3A_1111 : vector<1x1x16xf32> to vector<16xf32>
      %gt3A_1113 = arith.cmpf ogt, %get3A_1112, %scan3A_1036 : vector<16xf32>
      %max3A_1114 = arith.maximumf %scan3A_1036, %get3A_1112 : vector<16xf32>
      %select_n3A_1115 = arith.select %gt3A_1113, %add3A_1052, %scan3A_1044 : vector<16xi1>, vector<16xi32>
      %mul3A_1116 = arith.constant 8 : i32
      %mul3A_1117 = arith.muli %scan3A_1032, %mul3A_1116 : i32
      %add3A_1118 = arith.constant 4 : i32
      %add3A_1119 = arith.addi %mul3A_1117, %add3A_1118 : i32
      %mul3A_1120 = arith.constant 16 : i32
      %mul3A_1121 = arith.muli %add3A_1119, %mul3A_1120 : i32
      %get3A_1122 = arith.constant 1 : i32
      %get3A_1123 = arith.constant 0 : i32
      %get3A_1124 = arith.index_cast %get3A_1122 : i32 to index
      %get3A_1125 = arith.index_cast %get3A_1123 : i32 to index
      %get3A_1126 = arith.index_cast %mul3A_1121 : i32 to index
      %get3A_1127 = tpu.vector_load %arg4[%get3A_1124, %get3A_1125, %get3A_1126] {strides = array<i32>} : memref<2x1x32768xf32, #tpu.memory_space<vmem>>, vector<1x1x16xf32>,
      %get3A_1128 = vector.shape_cast %get3A_1127 : vector<1x1x16xf32> to vector<16xf32>
      %gt3A_1129 = arith.cmpf ogt, %get3A_1128, %scan3A_1037 : vector<16xf32>
      %max3A_1130 = arith.maximumf %scan3A_1037, %get3A_1128 : vector<16xf32>
      %select_n3A_1131 = arith.select %gt3A_1129, %add3A_1052, %scan3A_1045 : vector<16xi1>, vector<16xi32>
      %mul3A_1132 = arith.constant 8 : i32
      %mul3A_1133 = arith.muli %scan3A_1032, %mul3A_1132 : i32
      %add3A_1134 = arith.constant 5 : i32
      %add3A_1135 = arith.addi %mul3A_1133, %add3A_1134 : i32
      %mul3A_1136 = arith.constant 16 : i32
      %mul3A_1137 = arith.muli %add3A_1135, %mul3A_1136 : i32
      %get3A_1138 = arith.constant 1 : i32
      %get3A_1139 = arith.constant 0 : i32
      %get3A_1140 = arith.index_cast %get3A_1138 : i32 to index
      %get3A_1141 = arith.index_cast %get3A_1139 : i32 to index
      %get3A_1142 = arith.index_cast %mul3A_1137 : i32 to index
      %get3A_1143 = tpu.vector_load %arg4[%get3A_1140, %get3A_1141, %get3A_1142] {strides = array<i32>} : memref<2x1x32768xf32, #tpu.memory_space<vmem>>, vector<1x1x16xf32>,
      %get3A_1144 = vector.shape_cast %get3A_1143 : vector<1x1x16xf32> to vector<16xf32>
      %gt3A_1145 = arith.cmpf ogt, %get3A_1144, %scan3A_1038 : vector<16xf32>
      %max3A_1146 = arith.maximumf %scan3A_1038, %get3A_1144 : vector<16xf32>
      %select_n3A_1147 = arith.select %gt3A_1145, %add3A_1052, %scan3A_1046 : vector<16xi1>, vector<16xi32>
      %mul3A_1148 = arith.constant 8 : i32
      %mul3A_1149 = arith.muli %scan3A_1032, %mul3A_1148 : i32
      %add3A_1150 = arith.constant 6 : i32
      %add3A_1151 = arith.addi %mul3A_1149, %add3A_1150 : i32
      %mul3A_1152 = arith.constant 16 : i32
      %mul3A_1153 = arith.muli %add3A_1151, %mul3A_1152 : i32
      %get3A_1154 = arith.constant 1 : i32
      %get3A_1155 = arith.constant 0 : i32
      %get3A_1156 = arith.index_cast %get3A_1154 : i32 to index
      %get3A_1157 = arith.index_cast %get3A_1155 : i32 to index
      %get3A_1158 = arith.index_cast %mul3A_1153 : i32 to index
      %get3A_1159 = tpu.vector_load %arg4[%get3A_1156, %get3A_1157, %get3A_1158] {strides = array<i32>} : memref<2x1x32768xf32, #tpu.memory_space<vmem>>, vector<1x1x16xf32>,
      %get3A_1160 = vector.shape_cast %get3A_1159 : vector<1x1x16xf32> to vector<16xf32>
      %gt3A_1161 = arith.cmpf ogt, %get3A_1160, %scan3A_1039 : vector<16xf32>
      %max3A_1162 = arith.maximumf %scan3A_1039, %get3A_1160 : vector<16xf32>
      %select_n3A_1163 = arith.select %gt3A_1161, %add3A_1052, %scan3A_1047 : vector<16xi1>, vector<16xi32>
      %mul3A_1164 = arith.constant 8 : i32
      %mul3A_1165 = arith.muli %scan3A_1032, %mul3A_1164 : i32
      %add3A_1166 = arith.constant 7 : i32
      %add3A_1167 = arith.addi %mul3A_1165, %add3A_1166 : i32
      %mul3A_1168 = arith.constant 16 : i32
      %mul3A_1169 = arith.muli %add3A_1167, %mul3A_1168 : i32
      %get3A_1170 = arith.constant 1 : i32
      %get3A_1171 = arith.constant 0 : i32
      %get3A_1172 = arith.index_cast %get3A_1170 : i32 to index
      %get3A_1173 = arith.index_cast %get3A_1171 : i32 to index
      %get3A_1174 = arith.index_cast %mul3A_1169 : i32 to index
      %get3A_1175 = tpu.vector_load %arg4[%get3A_1172, %get3A_1173, %get3A_1174] {strides = array<i32>} : memref<2x1x32768xf32, #tpu.memory_space<vmem>>, vector<1x1x16xf32>,
      %get3A_1176 = vector.shape_cast %get3A_1175 : vector<1x1x16xf32> to vector<16xf32>
      %gt3A_1177 = arith.cmpf ogt, %get3A_1176, %scan3A_1040 : vector<16xf32>
      %max3A_1178 = arith.maximumf %scan3A_1040, %get3A_1176 : vector<16xf32>
      %select_n3A_1179 = arith.select %gt3A_1177, %add3A_1052, %scan3A_1048 : vector<16xi1>, vector<16xi32>
      scf.yield %max3A_1066, %max3A_1082, %max3A_1098, %max3A_1114, %max3A_1130, %max3A_1146, %max3A_1162, %max3A_1178, %select_n3A_1067, %select_n3A_1083, %select_n3A_1099, %select_n3A_1115, %select_n3A_1131, %select_n3A_1147, %select_n3A_1163, %select_n3A_1179 : vector<16xf32>, vector<16xf32>, vector<16xf32>, vector<16xf32>, vector<16xf32>, vector<16xf32>, vector<16xf32>, vector<16xf32>, vector<16xi32>, vector<16xi32>, vector<16xi32>, vector<16xi32>, vector<16xi32>, vector<16xi32>, vector<16xi32>, vector<16xi32>
    }
    %scan3A_810 = arith.constant 256 : i32
    %iota3A_811 = tpu.iota {dimensions = array<i32: 0>} : vector<16xi32>
    %mul3A_812 = arith.constant 128 : i32
    %mul3A_813 = vector.broadcast %mul3A_812 : i32 to vector<16xi32>
    %mul3A_814 = arith.muli %scan3A_809#8, %mul3A_813 : vector<16xi32>
    %add3A_815 = arith.addi %mul3A_814, %iota3A_811 : vector<16xi32>
    %mul3A_816 = arith.constant 128 : i32
    %mul3A_817 = vector.broadcast %mul3A_816 : i32 to vector<16xi32>
    %mul3A_818 = arith.muli %scan3A_809#9, %mul3A_817 : vector<16xi32>
    %add3A_819 = arith.constant 16 : i32
    %add3A_820 = vector.broadcast %add3A_819 : i32 to vector<16xi32>
    %add3A_821 = arith.addi %mul3A_818, %add3A_820 : vector<16xi32>
    %add3A_822 = arith.addi %add3A_821, %iota3A_811 : vector<16xi32>
    %gt3A_823 = arith.cmpf ogt, %scan3A_809#1, %scan3A_809#0 : vector<16xf32>
    %select_n3A_824 = arith.select %gt3A_823, %add3A_822, %add3A_815 : vector<16xi1>, vector<16xi32>
    %max3A_825 = arith.maximumf %scan3A_809#0, %scan3A_809#1 : vector<16xf32>
    %mul3A_826 = arith.constant 128 : i32
    %mul3A_827 = vector.broadcast %mul3A_826 : i32 to vector<16xi32>
    %mul3A_828 = arith.muli %scan3A_809#10, %mul3A_827 : vector<16xi32>
    %add3A_829 = arith.constant 32 : i32
    %add3A_830 = vector.broadcast %add3A_829 : i32 to vector<16xi32>
    %add3A_831 = arith.addi %mul3A_828, %add3A_830 : vector<16xi32>
    %add3A_832 = arith.addi %add3A_831, %iota3A_811 : vector<16xi32>
    %gt3A_833 = arith.cmpf ogt, %scan3A_809#2, %max3A_825 : vector<16xf32>
    %select_n3A_834 = arith.select %gt3A_833, %add3A_832, %select_n3A_824 : vector<16xi1>, vector<16xi32>
    %max3A_835 = arith.maximumf %max3A_825, %scan3A_809#2 : vector<16xf32>
    %mul3A_836 = arith.constant 128 : i32
    %mul3A_837 = vector.broadcast %mul3A_836 : i32 to vector<16xi32>
    %mul3A_838 = arith.muli %scan3A_809#11, %mul3A_837 : vector<16xi32>
    %add3A_839 = arith.constant 48 : i32
    %add3A_840 = vector.broadcast %add3A_839 : i32 to vector<16xi32>
    %add3A_841 = arith.addi %mul3A_838, %add3A_840 : vector<16xi32>
    %add3A_842 = arith.addi %add3A_841, %iota3A_811 : vector<16xi32>
    %gt3A_843 = arith.cmpf ogt, %scan3A_809#3, %max3A_835 : vector<16xf32>
    %select_n3A_844 = arith.select %gt3A_843, %add3A_842, %select_n3A_834 : vector<16xi1>, vector<16xi32>
    %max3A_845 = arith.maximumf %max3A_835, %scan3A_809#3 : vector<16xf32>
    %mul3A_846 = arith.constant 128 : i32
    %mul3A_847 = vector.broadcast %mul3A_846 : i32 to vector<16xi32>
    %mul3A_848 = arith.muli %scan3A_809#12, %mul3A_847 : vector<16xi32>
    %add3A_849 = arith.constant 64 : i32
    %add3A_850 = vector.broadcast %add3A_849 : i32 to vector<16xi32>
    %add3A_851 = arith.addi %mul3A_848, %add3A_850 : vector<16xi32>
    %add3A_852 = arith.addi %add3A_851, %iota3A_811 : vector<16xi32>
    %gt3A_853 = arith.cmpf ogt, %scan3A_809#4, %max3A_845 : vector<16xf32>
    %select_n3A_854 = arith.select %gt3A_853, %add3A_852, %select_n3A_844 : vector<16xi1>, vector<16xi32>
    %max3A_855 = arith.maximumf %max3A_845, %scan3A_809#4 : vector<16xf32>
    %mul3A_856 = arith.constant 128 : i32
    %mul3A_857 = vector.broadcast %mul3A_856 : i32 to vector<16xi32>
    %mul3A_858 = arith.muli %scan3A_809#13, %mul3A_857 : vector<16xi32>
    %add3A_859 = arith.constant 80 : i32
    %add3A_860 = vector.broadcast %add3A_859 : i32 to vector<16xi32>
    %add3A_861 = arith.addi %mul3A_858, %add3A_860 : vector<16xi32>
    %add3A_862 = arith.addi %add3A_861, %iota3A_811 : vector<16xi32>
    %gt3A_863 = arith.cmpf ogt, %scan3A_809#5, %max3A_855 : vector<16xf32>
    %select_n3A_864 = arith.select %gt3A_863, %add3A_862, %select_n3A_854 : vector<16xi1>, vector<16xi32>
    %max3A_865 = arith.maximumf %max3A_855, %scan3A_809#5 : vector<16xf32>
    %mul3A_866 = arith.constant 128 : i32
    %mul3A_867 = vector.broadcast %mul3A_866 : i32 to vector<16xi32>
    %mul3A_868 = arith.muli %scan3A_809#14, %mul3A_867 : vector<16xi32>
    %add3A_869 = arith.constant 96 : i32
    %add3A_870 = vector.broadcast %add3A_869 : i32 to vector<16xi32>
    %add3A_871 = arith.addi %mul3A_868, %add3A_870 : vector<16xi32>
    %add3A_872 = arith.addi %add3A_871, %iota3A_811 : vector<16xi32>
    %gt3A_873 = arith.cmpf ogt, %scan3A_809#6, %max3A_865 : vector<16xf32>
    %select_n3A_874 = arith.select %gt3A_873, %add3A_872, %select_n3A_864 : vector<16xi1>, vector<16xi32>
    %max3A_875 = arith.maximumf %max3A_865, %scan3A_809#6 : vector<16xf32>
    %mul3A_876 = arith.constant 128 : i32
    %mul3A_877 = vector.broadcast %mul3A_876 : i32 to vector<16xi32>
    %mul3A_878 = arith.muli %scan3A_809#15, %mul3A_877 : vector<16xi32>
    %add3A_879 = arith.constant 112 : i32
    %add3A_880 = vector.broadcast %add3A_879 : i32 to vector<16xi32>
    %add3A_881 = arith.addi %mul3A_878, %add3A_880 : vector<16xi32>
    %add3A_882 = arith.addi %add3A_881, %iota3A_811 : vector<16xi32>
    %gt3A_883 = arith.cmpf ogt, %scan3A_809#7, %max3A_875 : vector<16xf32>
    %select_n3A_884 = arith.select %gt3A_883, %add3A_882, %select_n3A_874 : vector<16xi1>, vector<16xi32>
    %max3A_885 = arith.maximumf %max3A_875, %scan3A_809#7 : vector<16xf32>
    %slice3A_886 = vector.extract_strided_slice %max3A_885 {offsets = [0], sizes = [1], strides = [1]} : vector<16xf32> to vector<1xf32>
    %squeeze3A_887 = vector.extract %slice3A_886[0] : f32 from vector<1xf32>
    %slice3A_888 = vector.extract_strided_slice %select_n3A_884 {offsets = [0], sizes = [1], strides = [1]} : vector<16xi32> to vector<1xi32>
    %squeeze3A_889 = vector.extract %slice3A_888[0] : i32 from vector<1xi32>
    %slice3A_890 = vector.extract_strided_slice %max3A_885 {offsets = [1], sizes = [1], strides = [1]} : vector<16xf32> to vector<1xf32>
    %squeeze3A_891 = vector.extract %slice3A_890[0] : f32 from vector<1xf32>
    %gt3A_892 = arith.cmpf ogt, %squeeze3A_891, %squeeze3A_887 : f32
    %slice3A_893 = vector.extract_strided_slice %select_n3A_884 {offsets = [1], sizes = [1], strides = [1]} : vector<16xi32> to vector<1xi32>
    %squeeze3A_894 = vector.extract %slice3A_893[0] : i32 from vector<1xi32>
    %select_n3A_895 = arith.select %gt3A_892, %squeeze3A_894, %squeeze3A_889 : i32
    %slice3A_896 = vector.extract_strided_slice %max3A_885 {offsets = [1], sizes = [1], strides = [1]} : vector<16xf32> to vector<1xf32>
    %squeeze3A_897 = vector.extract %slice3A_896[0] : f32 from vector<1xf32>
    %select_n3A_898 = arith.select %gt3A_892, %squeeze3A_897, %squeeze3A_887 : f32
    %slice3A_899 = vector.extract_strided_slice %max3A_885 {offsets = [2], sizes = [1], strides = [1]} : vector<16xf32> to vector<1xf32>
    %squeeze3A_900 = vector.extract %slice3A_899[0] : f32 from vector<1xf32>
    %gt3A_901 = arith.cmpf ogt, %squeeze3A_900, %select_n3A_898 : f32
    %slice3A_902 = vector.extract_strided_slice %select_n3A_884 {offsets = [2], sizes = [1], strides = [1]} : vector<16xi32> to vector<1xi32>
    %squeeze3A_903 = vector.extract %slice3A_902[0] : i32 from vector<1xi32>
    %select_n3A_904 = arith.select %gt3A_901, %squeeze3A_903, %select_n3A_895 : i32
    %slice3A_905 = vector.extract_strided_slice %max3A_885 {offsets = [2], sizes = [1], strides = [1]} : vector<16xf32> to vector<1xf32>
    %squeeze3A_906 = vector.extract %slice3A_905[0] : f32 from vector<1xf32>
    %select_n3A_907 = arith.select %gt3A_901, %squeeze3A_906, %select_n3A_898 : f32
    %slice3A_908 = vector.extract_strided_slice %max3A_885 {offsets = [3], sizes = [1], strides = [1]} : vector<16xf32> to vector<1xf32>
    %squeeze3A_909 = vector.extract %slice3A_908[0] : f32 from vector<1xf32>
    %gt3A_910 = arith.cmpf ogt, %squeeze3A_909, %select_n3A_907 : f32
    %slice3A_911 = vector.extract_strided_slice %select_n3A_884 {offsets = [3], sizes = [1], strides = [1]} : vector<16xi32> to vector<1xi32>
    %squeeze3A_912 = vector.extract %slice3A_911[0] : i32 from vector<1xi32>
    %select_n3A_913 = arith.select %gt3A_910, %squeeze3A_912, %select_n3A_904 : i32
    %slice3A_914 = vector.extract_strided_slice %max3A_885 {offsets = [3], sizes = [1], strides = [1]} : vector<16xf32> to vector<1xf32>
    %squeeze3A_915 = vector.extract %slice3A_914[0] : f32 from vector<1xf32>
    %select_n3A_916 = arith.select %gt3A_910, %squeeze3A_915, %select_n3A_907 : f32
    %slice3A_917 = vector.extract_strided_slice %max3A_885 {offsets = [4], sizes = [1], strides = [1]} : vector<16xf32> to vector<1xf32>
    %squeeze3A_918 = vector.extract %slice3A_917[0] : f32 from vector<1xf32>
    %gt3A_919 = arith.cmpf ogt, %squeeze3A_918, %select_n3A_916 : f32
    %slice3A_920 = vector.extract_strided_slice %select_n3A_884 {offsets = [4], sizes = [1], strides = [1]} : vector<16xi32> to vector<1xi32>
    %squeeze3A_921 = vector.extract %slice3A_920[0] : i32 from vector<1xi32>
    %select_n3A_922 = arith.select %gt3A_919, %squeeze3A_921, %select_n3A_913 : i32
    %slice3A_923 = vector.extract_strided_slice %max3A_885 {offsets = [4], sizes = [1], strides = [1]} : vector<16xf32> to vector<1xf32>
    %squeeze3A_924 = vector.extract %slice3A_923[0] : f32 from vector<1xf32>
    %select_n3A_925 = arith.select %gt3A_919, %squeeze3A_924, %select_n3A_916 : f32
    %slice3A_926 = vector.extract_strided_slice %max3A_885 {offsets = [5], sizes = [1], strides = [1]} : vector<16xf32> to vector<1xf32>
    %squeeze3A_927 = vector.extract %slice3A_926[0] : f32 from vector<1xf32>
    %gt3A_928 = arith.cmpf ogt, %squeeze3A_927, %select_n3A_925 : f32
    %slice3A_929 = vector.extract_strided_slice %select_n3A_884 {offsets = [5], sizes = [1], strides = [1]} : vector<16xi32> to vector<1xi32>
    %squeeze3A_930 = vector.extract %slice3A_929[0] : i32 from vector<1xi32>
    %select_n3A_931 = arith.select %gt3A_928, %squeeze3A_930, %select_n3A_922 : i32
    %slice3A_932 = vector.extract_strided_slice %max3A_885 {offsets = [5], sizes = [1], strides = [1]} : vector<16xf32> to vector<1xf32>
    %squeeze3A_933 = vector.extract %slice3A_932[0] : f32 from vector<1xf32>
    %select_n3A_934 = arith.select %gt3A_928, %squeeze3A_933, %select_n3A_925 : f32
    %slice3A_935 = vector.extract_strided_slice %max3A_885 {offsets = [6], sizes = [1], strides = [1]} : vector<16xf32> to vector<1xf32>
    %squeeze3A_936 = vector.extract %slice3A_935[0] : f32 from vector<1xf32>
    %gt3A_937 = arith.cmpf ogt, %squeeze3A_936, %select_n3A_934 : f32
    %slice3A_938 = vector.extract_strided_slice %select_n3A_884 {offsets = [6], sizes = [1], strides = [1]} : vector<16xi32> to vector<1xi32>
    %squeeze3A_939 = vector.extract %slice3A_938[0] : i32 from vector<1xi32>
    %select_n3A_940 = arith.select %gt3A_937, %squeeze3A_939, %select_n3A_931 : i32
    %slice3A_941 = vector.extract_strided_slice %max3A_885 {offsets = [6], sizes = [1], strides = [1]} : vector<16xf32> to vector<1xf32>
    %squeeze3A_942 = vector.extract %slice3A_941[0] : f32 from vector<1xf32>
    %select_n3A_943 = arith.select %gt3A_937, %squeeze3A_942, %select_n3A_934 : f32
    %slice3A_944 = vector.extract_strided_slice %max3A_885 {offsets = [7], sizes = [1], strides = [1]} : vector<16xf32> to vector<1xf32>
    %squeeze3A_945 = vector.extract %slice3A_944[0] : f32 from vector<1xf32>
    %gt3A_946 = arith.cmpf ogt, %squeeze3A_945, %select_n3A_943 : f32
    %slice3A_947 = vector.extract_strided_slice %select_n3A_884 {offsets = [7], sizes = [1], strides = [1]} : vector<16xi32> to vector<1xi32>
    %squeeze3A_948 = vector.extract %slice3A_947[0] : i32 from vector<1xi32>
    %select_n3A_949 = arith.select %gt3A_946, %squeeze3A_948, %select_n3A_940 : i32
    %slice3A_950 = vector.extract_strided_slice %max3A_885 {offsets = [7], sizes = [1], strides = [1]} : vector<16xf32> to vector<1xf32>
    %squeeze3A_951 = vector.extract %slice3A_950[0] : f32 from vector<1xf32>
    %select_n3A_952 = arith.select %gt3A_946, %squeeze3A_951, %select_n3A_943 : f32
    %slice3A_953 = vector.extract_strided_slice %max3A_885 {offsets = [8], sizes = [1], strides = [1]} : vector<16xf32> to vector<1xf32>
    %squeeze3A_954 = vector.extract %slice3A_953[0] : f32 from vector<1xf32>
    %gt3A_955 = arith.cmpf ogt, %squeeze3A_954, %select_n3A_952 : f32
    %slice3A_956 = vector.extract_strided_slice %select_n3A_884 {offsets = [8], sizes = [1], strides = [1]} : vector<16xi32> to vector<1xi32>
    %squeeze3A_957 = vector.extract %slice3A_956[0] : i32 from vector<1xi32>
    %select_n3A_958 = arith.select %gt3A_955, %squeeze3A_957, %select_n3A_949 : i32
    %slice3A_959 = vector.extract_strided_slice %max3A_885 {offsets = [8], sizes = [1], strides = [1]} : vector<16xf32> to vector<1xf32>
    %squeeze3A_960 = vector.extract %slice3A_959[0] : f32 from vector<1xf32>
    %select_n3A_961 = arith.select %gt3A_955, %squeeze3A_960, %select_n3A_952 : f32
    %slice3A_962 = vector.extract_strided_slice %max3A_885 {offsets = [9], sizes = [1], strides = [1]} : vector<16xf32> to vector<1xf32>
    %squeeze3A_963 = vector.extract %slice3A_962[0] : f32 from vector<1xf32>
    %gt3A_964 = arith.cmpf ogt, %squeeze3A_963, %select_n3A_961 : f32
    %slice3A_965 = vector.extract_strided_slice %select_n3A_884 {offsets = [9], sizes = [1], strides = [1]} : vector<16xi32> to vector<1xi32>
    %squeeze3A_966 = vector.extract %slice3A_965[0] : i32 from vector<1xi32>
    %select_n3A_967 = arith.select %gt3A_964, %squeeze3A_966, %select_n3A_958 : i32
    %slice3A_968 = vector.extract_strided_slice %max3A_885 {offsets = [9], sizes = [1], strides = [1]} : vector<16xf32> to vector<1xf32>
    %squeeze3A_969 = vector.extract %slice3A_968[0] : f32 from vector<1xf32>
    %select_n3A_970 = arith.select %gt3A_964, %squeeze3A_969, %select_n3A_961 : f32
    %slice3A_971 = vector.extract_strided_slice %max3A_885 {offsets = [10], sizes = [1], strides = [1]} : vector<16xf32> to vector<1xf32>
    %squeeze3A_972 = vector.extract %slice3A_971[0] : f32 from vector<1xf32>
    %gt3A_973 = arith.cmpf ogt, %squeeze3A_972, %select_n3A_970 : f32
    %slice3A_974 = vector.extract_strided_slice %select_n3A_884 {offsets = [10], sizes = [1], strides = [1]} : vector<16xi32> to vector<1xi32>
    %squeeze3A_975 = vector.extract %slice3A_974[0] : i32 from vector<1xi32>
    %select_n3A_976 = arith.select %gt3A_973, %squeeze3A_975, %select_n3A_967 : i32
    %slice3A_977 = vector.extract_strided_slice %max3A_885 {offsets = [10], sizes = [1], strides = [1]} : vector<16xf32> to vector<1xf32>
    %squeeze3A_978 = vector.extract %slice3A_977[0] : f32 from vector<1xf32>
    %select_n3A_979 = arith.select %gt3A_973, %squeeze3A_978, %select_n3A_970 : f32
    %slice3A_980 = vector.extract_strided_slice %max3A_885 {offsets = [11], sizes = [1], strides = [1]} : vector<16xf32> to vector<1xf32>
    %squeeze3A_981 = vector.extract %slice3A_980[0] : f32 from vector<1xf32>
    %gt3A_982 = arith.cmpf ogt, %squeeze3A_981, %select_n3A_979 : f32
    %slice3A_983 = vector.extract_strided_slice %select_n3A_884 {offsets = [11], sizes = [1], strides = [1]} : vector<16xi32> to vector<1xi32>
    %squeeze3A_984 = vector.extract %slice3A_983[0] : i32 from vector<1xi32>
    %select_n3A_985 = arith.select %gt3A_982, %squeeze3A_984, %select_n3A_976 : i32
    %slice3A_986 = vector.extract_strided_slice %max3A_885 {offsets = [11], sizes = [1], strides = [1]} : vector<16xf32> to vector<1xf32>
    %squeeze3A_987 = vector.extract %slice3A_986[0] : f32 from vector<1xf32>
    %select_n3A_988 = arith.select %gt3A_982, %squeeze3A_987, %select_n3A_979 : f32
    %slice3A_989 = vector.extract_strided_slice %max3A_885 {offsets = [12], sizes = [1], strides = [1]} : vector<16xf32> to vector<1xf32>
    %squeeze3A_990 = vector.extract %slice3A_989[0] : f32 from vector<1xf32>
    %gt3A_991 = arith.cmpf ogt, %squeeze3A_990, %select_n3A_988 : f32
    %slice3A_992 = vector.extract_strided_slice %select_n3A_884 {offsets = [12], sizes = [1], strides = [1]} : vector<16xi32> to vector<1xi32>
    %squeeze3A_993 = vector.extract %slice3A_992[0] : i32 from vector<1xi32>
    %select_n3A_994 = arith.select %gt3A_991, %squeeze3A_993, %select_n3A_985 : i32
    %slice3A_995 = vector.extract_strided_slice %max3A_885 {offsets = [12], sizes = [1], strides = [1]} : vector<16xf32> to vector<1xf32>
    %squeeze3A_996 = vector.extract %slice3A_995[0] : f32 from vector<1xf32>
    %select_n3A_997 = arith.select %gt3A_991, %squeeze3A_996, %select_n3A_988 : f32
    %slice3A_998 = vector.extract_strided_slice %max3A_885 {offsets = [13], sizes = [1], strides = [1]} : vector<16xf32> to vector<1xf32>
    %squeeze3A_999 = vector.extract %slice3A_998[0] : f32 from vector<1xf32>
    %gt3A_1000 = arith.cmpf ogt, %squeeze3A_999, %select_n3A_997 : f32
    %slice3A_1001 = vector.extract_strided_slice %select_n3A_884 {offsets = [13], sizes = [1], strides = [1]} : vector<16xi32> to vector<1xi32>
    %squeeze3A_1002 = vector.extract %slice3A_1001[0] : i32 from vector<1xi32>
    %select_n3A_1003 = arith.select %gt3A_1000, %squeeze3A_1002, %select_n3A_994 : i32
    %slice3A_1004 = vector.extract_strided_slice %max3A_885 {offsets = [13], sizes = [1], strides = [1]} : vector<16xf32> to vector<1xf32>
    %squeeze3A_1005 = vector.extract %slice3A_1004[0] : f32 from vector<1xf32>
    %select_n3A_1006 = arith.select %gt3A_1000, %squeeze3A_1005, %select_n3A_997 : f32
    %slice3A_1007 = vector.extract_strided_slice %max3A_885 {offsets = [14], sizes = [1], strides = [1]} : vector<16xf32> to vector<1xf32>
    %squeeze3A_1008 = vector.extract %slice3A_1007[0] : f32 from vector<1xf32>
    %gt3A_1009 = arith.cmpf ogt, %squeeze3A_1008, %select_n3A_1006 : f32
    %slice3A_1010 = vector.extract_strided_slice %select_n3A_884 {offsets = [14], sizes = [1], strides = [1]} : vector<16xi32> to vector<1xi32>
    %squeeze3A_1011 = vector.extract %slice3A_1010[0] : i32 from vector<1xi32>
    %select_n3A_1012 = arith.select %gt3A_1009, %squeeze3A_1011, %select_n3A_1003 : i32
    %slice3A_1013 = vector.extract_strided_slice %max3A_885 {offsets = [14], sizes = [1], strides = [1]} : vector<16xf32> to vector<1xf32>
    %squeeze3A_1014 = vector.extract %slice3A_1013[0] : f32 from vector<1xf32>
    %select_n3A_1015 = arith.select %gt3A_1009, %squeeze3A_1014, %select_n3A_1006 : f32
    %slice3A_1016 = vector.extract_strided_slice %max3A_885 {offsets = [15], sizes = [1], strides = [1]} : vector<16xf32> to vector<1xf32>
    %squeeze3A_1017 = vector.extract %slice3A_1016[0] : f32 from vector<1xf32>
    %gt3A_1018 = arith.cmpf ogt, %squeeze3A_1017, %select_n3A_1015 : f32
    %slice3A_1019 = vector.extract_strided_slice %select_n3A_884 {offsets = [15], sizes = [1], strides = [1]} : vector<16xi32> to vector<1xi32>
    %squeeze3A_1020 = vector.extract %slice3A_1019[0] : i32 from vector<1xi32>
    %select_n3A_1021 = arith.select %gt3A_1018, %squeeze3A_1020, %select_n3A_1012 : i32
    %slice3A_1022 = vector.extract_strided_slice %max3A_885 {offsets = [15], sizes = [1], strides = [1]} : vector<16xf32> to vector<1xf32>
    %squeeze3A_1023 = vector.extract %slice3A_1022[0] : f32 from vector<1xf32>
    %select_n3A_1024 = arith.select %gt3A_1018, %squeeze3A_1023, %select_n3A_1015 : f32
    %broadcast_in_dim3A_1025 = vector.broadcast %select_n3A_1021 : i32 to vector<16xi32>
    %swap3A_1026 = arith.constant 3 : i32
    %swap3A_1027 = arith.index_cast %swap3A_1026 : i32 to index
    %swap3A_1028 = arith.constant 0 : index
    %swap3A_1029 = tpu.vector_load %arg5[%swap3A_1027, %swap3A_1028] {strides = array<i32>} : memref<4x16xi32, #tpu.memory_space<vmem>>, vector<1x16xi32>,
    %swap3A_1030 = vector.shape_cast %swap3A_1029 : vector<1x16xi32> to vector<16xi32>
    %swap3A_1031 = vector.shape_cast %broadcast_in_dim3A_1025 : vector<16xi32> to vector<1x16xi32>
    tpu.vector_store %arg5[%swap3A_1027, %swap3A_1028], %swap3A_1031 {strides = array<i32>} : memref<4x16xi32, #tpu.memory_space<vmem>>, vector<1x16xi32>,
    "tpu.region"() ({
      %run_scoped3A = tpu.sem_alloc : memref<!tpu.dma_semaphore, #tpu.memory_space<semaphore_mem>>
      %dma_start3A_1032 = arith.constant 0 : i32
      %dma_start3A_1033 = arith.constant 0 : i32
      %dma_start3A_1034 = tpu.memref_slice %arg3[%add3A, %dma_start3A_1032, %dma_start3A_1033] : memref<32x4x16xi32, #tpu.memory_space<hbm>> -> memref<1x4x16xi32, #tpu.memory_space<hbm>>
      %dma_start3A_1035 = tpu.memref_squeeze %dma_start3A_1034 : memref<1x4x16xi32, #tpu.memory_space<hbm>> -> memref<4x16xi32, #tpu.memory_space<hbm>>
      %dma_start3A_1036 = arith.constant 0 : i32
      %dma_start3A_1037 = arith.constant 0 : i32
      %dma_start3A_1038 = tpu.memref_slice %arg3[%add3A, %dma_start3A_1036, %dma_start3A_1037] : memref<32x4x16xi32, #tpu.memory_space<hbm>> -> memref<1x4x16xi32, #tpu.memory_space<hbm>>
      %dma_start3A_1039 = tpu.memref_squeeze %dma_start3A_1038 : memref<1x4x16xi32, #tpu.memory_space<hbm>> -> memref<4x16xi32, #tpu.memory_space<hbm>>
      tpu.enqueue_dma source(%arg5 : memref<4x16xi32, #tpu.memory_space<vmem>>) target(%dma_start3A_1039 : memref<4x16xi32, #tpu.memory_space<hbm>>) target_semaphore(%run_scoped3A : memref<!tpu.dma_semaphore, #tpu.memory_space<semaphore_mem>>)
      %dma_wait3A_1040 = arith.constant 0 : i32
      %dma_wait3A_1041 = arith.constant 0 : i32
      %dma_wait3A_1042 = tpu.memref_slice %arg3[%add3A, %dma_wait3A_1040, %dma_wait3A_1041] : memref<32x4x16xi32, #tpu.memory_space<hbm>> -> memref<1x4x16xi32, #tpu.memory_space<hbm>>
      %dma_wait3A_1043 = tpu.memref_squeeze %dma_wait3A_1042 : memref<1x4x16xi32, #tpu.memory_space<hbm>> -> memref<4x16xi32, #tpu.memory_space<hbm>>
      %dma_wait3A_1044 = arith.constant 0 : i32
      %dma_wait3A_1045 = arith.constant 0 : i32
      %dma_wait3A_1046 = tpu.memref_slice %arg3[%add3A, %dma_wait3A_1044, %dma_wait3A_1045] : memref<32x4x16xi32, #tpu.memory_space<hbm>> -> memref<1x4x16xi32, #tpu.memory_space<hbm>>
      %dma_wait3A_1047 = tpu.memref_squeeze %dma_wait3A_1046 : memref<1x4x16xi32, #tpu.memory_space<hbm>> -> memref<4x16xi32, #tpu.memory_space<hbm>>
      tpu.wait_dma2 semaphore(%run_scoped3A : memref<!tpu.dma_semaphore, #tpu.memory_space<semaphore_mem>>) src(%arg5 : memref<4x16xi32, #tpu.memory_space<vmem>>) dst(%dma_wait3A_1047 : memref<4x16xi32, #tpu.memory_space<hbm>>)
      tpu.yield
    }) : () -> ()
    return
  }
}

module attributes {stable_mosaic.version = 14 : i64} {
  func.func @_copy_body(%arg0: i32, %arg1: memref<64x32768xf32, #tpu.memory_space<vmem>>, %arg2: memref<64x32768xf32, #tpu.memory_space<vmem>>) attributes {dimension_semantics = [#tpu.dimension_semantics<arbitrary>], iteration_bounds = array<i64: 2>, scalar_prefetch = 0 : i64, scratch_operands = 0 : i64, tpu.core_type = #tpu.core_type<tc>, window_params = [{transform_indices = @transform_0, window_bounds = array<i64: 64, 32768>}, {transform_indices = @transform_1, window_bounds = array<i64: 64, 32768>}]} {
    %get3A = arith.constant 0 : index
    %get3A_0 = arith.constant 0 : index
    %get3A_1 = vector.load %arg1[%get3A, %get3A_0] : memref<64x32768xf32, #tpu.memory_space<vmem>>, vector<64x32768xf32>
    %swap3A = arith.constant 0 : index
    %swap3A_2 = arith.constant 0 : index
    %swap3A_3 = vector.load %arg2[%swap3A, %swap3A_2] : memref<64x32768xf32, #tpu.memory_space<vmem>>, vector<64x32768xf32>
    tpu.vector_store %arg2[%swap3A, %swap3A_2], %get3A_1 {strides = array<i32>} : memref<64x32768xf32, #tpu.memory_space<vmem>>, vector<64x32768xf32>,
    return
  }
  func.func @transform_0(%arg0: i32) -> (i32, i32) {
    %c0_i32 = arith.constant 0 : i32
    %c0_i32_0 = arith.constant 0 : i32
    return %arg0, %c0_i32 : i32, i32
  }
  func.func @transform_1(%arg0: i32) -> (i32, i32) {
    %c0_i32 = arith.constant 0 : i32
    %c0_i32_0 = arith.constant 0 : i32
    return %arg0, %c0_i32 : i32, i32
  }
}

</mosaic_0001>

<sc_bundles>
// kernel: kernel.4.cloned.1.call-start
scs
__scs_entry_jumppad:
0x0: {  	(pc) =	sbr.rel $0x88, $3  }
0x1: {  	(tag) =	ssettag $0x0;
	lr =	simm.s32 $0x1  }
0x2: {  	[smem:$0x3FA0] =	sst lr;
	_ =	strace $0xD0000000  }
0x3: {  	_ = 	snop  }
0x4: {  	_ = 	snop  }
0x5: {  	_ = 	snop  }
0x6: {  	_ = 	snop  }
0x7: {  	_ = 	snop  }
__scs_overlays_trampoline_lowered:
0x8: {  	[smem:$0x3FAF] =	sst s0  }
0x9: {  	[smem:$0x3FB0] =	sst s1  }
0xa: {  	[smem:$0x3FB1] =	sst s2  }
0xb: {  	[smem:$0x3FB2] =	sst s3  }
0xc: {  	[smem:$0x3FB3] =	sst s4  }
0xd: {  	[smem:$0x3FB4] =	sst s5  }
0xe: {  	[smem:$0x3FB5] =	sst s6  }
0xf: {  	[smem:$0x3FB6] =	sst s7  }
0x10: {  	[smem:$0x3FB7] =	sst s8  }
0x11: {  	[smem:$0x3FB8] =	sst s9;
	s0 =	simm.s32 @!p0 $0x0  }
0x12: {  	s1 =	sld [smem:$0x3F9E];
	s0 =	simm.s32 @p0 $0x1  }
0x13: {  	[smem:$0x3FB9] =	sst s0;
	s0 =	simm.s32 @!p1 $0x0  }
0x14: {  	s2 =	sld [smem:$0x3F9D];
	s0 =	simm.s32 @p1 $0x1  }
0x15: {  	[smem:$0x3FBA] =	sst s0;
	s0 =	simm.s32 @!p2 $0x0  }
0x16: {  	s3 =	sld [smem:$0x3FDB];
	s0 =	simm.s32 @p2 $0x1  }
0x17: {  	s4 =	simm.s32 $0x1BF5;
	[smem:$0x3FBC] =	sst s0  }
0x18: {  	s0 =	sld [smem:$0x3F9F];
	_ =	swait.ge [sflag:s4], $0x0  }
0x19: {  	s7 =	sld [smem:$0x3FA0]  }
0x1a: {  	s8 =	sadd.s32 $0xFFFFE003, lr  }
0x1b: {  	s9 =	sadd.s32 $0xFFFFFEF7, lr;
	s5 =	simm.s32 $0xFFFFFFFF;
	p2 =	slt.u32 s8, $0xFFFFF086  }
0x1c: {  	p1 =	slt.u32 s9, $0xF7A;
	s5 =	simm.s32 @!p2 $0x0  }
0x1d: {  	s5 =	simm.s32 @p1 $0x1;
	p0 =	seq.s32 s7, s2  }
0x1e: {  	s7 =	smul.u32 @!p0 $0xF7A, s2;
	p2 =	seq.s32 @!p0 s5, $0x0  }
0x1f: {  	s9 =	smul.u32 $0xF7A, s1;
	s8 =	simm.s32 @!p0 $0x1BF5;
	p2 =	por !p2, p0  }
0x20: {  	[sflag:s8] =	ssyncset.s32 @!p0 $0xFFFFF086;
	s6 =	sadd.s32 @!p0 s3, s7;
	s7 =	simm.s32 @!p0 $0x108  }
0x21: {  	s3 =	sadd.s32 s3, s9;
	s6 =	sadd.s32 @!p0 $0x88, s6;
	s7 =	simm.s32 @p2 $0x1082  }
0x22: {  	[simem:s7], [sflag:s8] =	dma.local @!p0 [hbm:s6], $0xF7A  }
0x23: {  	s9 =	sor.u32 $0xD0000000, s2;
	s6 =	simm.s32 $0x108;
	_ =	swait.ge @!p0 [sflag:s8], $0x0  }
0x24: {  	s3 =	sadd.s32 $0x88, s3;
	s6 =	simm.s32 @!p1 $0x1082;
	[sflag:s4] =	ssyncset.s32 $0xFFFFF086  }
0x25: {  	[simem:s6], [sflag:s4] =	dma.local [hbm:s3], $0xF7A  }
0x26: {  	[smem:$0x3FA0] =	sst s1;
	(tag) =	ssettag s2;
	_ =	strace s9  }
0x27: {  	s1 =	sld [smem:$0x3FB0]  }
0x28: {  	s2 =	sld [smem:$0x3FB1]  }
0x29: {  	s4 =	sld [smem:$0x3FB3]  }
0x2a: {  	p0 =	seq.s32 s5, $0x0;
	s5 =	sld [smem:$0x3FB4]  }
0x2b: {  	s6 =	sld [smem:$0x3FB5]  }
0x2c: {  	s7 =	sld [smem:$0x3FB6]  }
0x2d: {  	s3 =	simm.s32 $0x108;
	s8 =	sld [smem:$0x3FB7]  }
0x2e: {  	s3 =	simm.s32 @!p0 $0x1082;
	s9 =	sld [smem:$0x3FB8]  }
0x2f: {  	lr =	sadd.s32 s0, s3;
	s0 =	sld [smem:$0x3FAF]  }
0x30: {  	s3 =	sld [smem:$0x3FB2]  }
0x31: {  	[smem:$0x3FBB] =	sst s10  }
0x32: {  	s10 =	sld [smem:$0x3FB9];
	_ =	sdelay $0x3  }
0x33: {  	p0 =	seq.s32 s10, $0x1;
	s10 =	sld [smem:$0x3FBB];
	_ =	sdelay $0x3  }
0x34: {  	[smem:$0x3FBB] =	sst s10  }
0x35: {  	s10 =	sld [smem:$0x3FBA];
	_ =	sdelay $0x3  }
0x36: {  	p1 =	seq.s32 s10, $0x1;
	s10 =	sld [smem:$0x3FBB];
	_ =	sdelay $0x3  }
0x37: {  	[smem:$0x3FBB] =	sst s10  }
0x38: {  	s10 =	sld [smem:$0x3FBC]  }
0x39: {  	_ = 	snop;
	(pc) =	sbr.ind lr, $3  }
0x3a: {  	_ = 	snop  }
0x3b: {  	_ = 	snop  }
0x3c: {  	p2 =	seq.s32 s10, $0x1;
	s10 =	sld [smem:$0x3FBB]  }
0x3d: {  	_ =	shalt  }
0x3e: {  	_ =	shalt  }
0x3f: {  	_ =	shalt  }
0x40: {  	_ =	shalt  }
0x41: {  	_ =	shalt  }
0x42: {  	_ =	shalt  }
0x43: {  	_ =	shalt  }
0x44: {  	_ =	shalt  }
0x45: {  	_ =	shalt  }
0x46: {  	_ =	shalt  }
0x47: {  	_ =	shalt  }
0x48: {  	_ =	shalt  }
0x49: {  	_ =	shalt  }
0x4a: {  	_ =	shalt  }
0x4b: {  	_ =	shalt  }
0x4c: {  	_ =	shalt  }
0x4d: {  	_ =	shalt  }
0x4e: {  	_ =	shalt  }
0x4f: {  	_ =	shalt  }
0x50: {  	_ =	shalt  }
0x51: {  	_ =	shalt  }
0x52: {  	_ =	shalt  }
0x53: {  	_ =	shalt  }
0x54: {  	_ =	shalt  }
0x55: {  	_ =	shalt  }
0x56: {  	_ =	shalt  }
0x57: {  	_ =	shalt  }
0x58: {  	_ =	shalt  }
0x59: {  	_ =	shalt  }
0x5a: {  	_ =	shalt  }
0x5b: {  	_ =	shalt  }
0x5c: {  	_ =	shalt  }
0x5d: {  	_ =	shalt  }
0x5e: {  	_ =	shalt  }
0x5f: {  	_ =	shalt  }
0x60: {  	_ =	shalt  }
0x61: {  	_ =	shalt  }
0x62: {  	_ =	shalt  }
0x63: {  	_ =	shalt  }
0x64: {  	_ =	shalt  }
0x65: {  	_ =	shalt  }
0x66: {  	_ =	shalt  }
0x67: {  	_ =	shalt  }
0x68: {  	_ =	shalt  }
0x69: {  	_ =	shalt  }
0x6a: {  	_ =	shalt  }
0x6b: {  	_ =	shalt  }
0x6c: {  	_ =	shalt  }
0x6d: {  	_ =	shalt  }
0x6e: {  	_ =	shalt  }
0x6f: {  	_ =	shalt  }
0x70: {  	_ =	shalt  }
0x71: {  	_ =	shalt  }
0x72: {  	_ =	shalt  }
0x73: {  	_ =	shalt  }
0x74: {  	_ =	shalt  }
0x75: {  	_ =	shalt  }
0x76: {  	_ =	shalt  }
0x77: {  	_ =	shalt  }
0x78: {  	_ =	shalt  }
0x79: {  	_ =	shalt  }
0x7a: {  	_ =	shalt  }
0x7b: {  	_ =	shalt  }
0x7c: {  	_ =	shalt  }
0x7d: {  	_ =	shalt  }
0x7e: {  	_ =	shalt  }
0x7f: {  	_ =	shalt  }
0x80: {  	_ =	shalt  }
0x81: {  	_ =	shalt  }
0x82: {  	_ =	shalt  }
0x83: {  	_ =	shalt  }
0x84: {  	_ =	shalt  }
0x85: {  	_ =	shalt  }
0x86: {  	_ =	shalt  }
0x87: {  	_ =	shalt  }
.Lfunc_end0:
.L_simem_size_0:
called_computation_lowered:
.L_overlay_start_0:
0x88: {  	s2 =	sld [smem:$0x3FD9]  }
0x89: {  	s3 =	sld [smem:$0x3FFE];
	_ =	sdelay $0x1  }
0x8a: {  	s1 =	srdreg.scid  }
0x8b: {  	s0 =	sand.u32 $0x1, s1  }
0x8c: {  	s17 =	sshll.u32 s0, $0xA;
	s2 =	sadd.s32 s3, s2  }
0x8d: {  	s2 =	sadd.s32 s2, s17  }
0x8e: {  	[smem:$0x3FC7] =	sst s2  }
0x8f: {  	_ = 	snop  }
0x90: {  	s2 =	sld [smem:$0x3FC9];
	(tm) =	ssettm $0x1  }
0x91: {  	s18 =	sld [smem:$0x3FFB];
	_ =	sdelay $0x3  }
0x92: {  	_ =	strace s18  }
0x93: {  	s3 =	sld [smem:$0x3FFC];
	_ =	sdelay $0x3  }
0x94: {  	_ =	strace s3  }
0x95: {  	s3 =	sld [smem:$0x3FFD];
	_ =	sdelay $0x3  }
0x96: {  	_ =	strace s3  }
0x97: {  	_ =	strace $0x8FFFFFFF  }
0x98: {  	s19 =	sld [smem:$0x3FDB];
	_ =	sdelay $0x1  }
0x99: {  	s4 =	simm.s32 $_scs_section_size  }
0x9a: {  	s5 =	simm.s32 $_size__tile_overlayer_lowered;
	s6 =	simm.s32 $_tile_overlayer_lowered  }
0x9b: {  	s22 =	simm.s32 $0x1BFF;
	s21 =	sshll.u32 s6, $0x1;
	s3 =	sadd.s32 s4, s19  }
0x9c: {  	s7 =	simm.s32 $0x0;
	s20 =	sshll.u32 s5, $0x1;
	s5 =	sadd.s32 s21, s3  }
0x9d: {  	[timem:s7], [sflag:s22] =	dma.local [hbm:s5], s20  }
0x9e: {  	_ =	swait.ge [sflag:s22], s20  }
0x9f: {  	s4 =	ssub.s32 $0x0, s20;
	[sflag:s22] =	ssyncset.done $0x0  }
0xa0: {  	[sflag:s22] =	ssyncadd.s32 s4;
	_ =	sdelay $0x1  }
0xa1: {  	s23 =	simm.s32 $0x1B8B  }
0xa2: {  	_ =	swait.ge [sflag:s23], $0x1  }
0xa3: {  	[sflag:s23] =	ssyncset.done $0x0  }
0xa4: {  	s25 =	simm.s32 $0x1B8E;
	s24 =	sld [smem:$0x3FFE];
	[sflag:s23] =	ssyncadd.s32 $0xFFFFFFFF  }
0xa5: {  	s26 =	simm.s32 $execute0_lowered;
	[smem:$0x3FD2] =	sst s25  }
0xa6: {  	s5 =	sshll.u32 s26, $0x1;
	_ =	strace $0x80000046;
	[dreg:$0x1] =	wrdreg $0xFFFFFFFF  }
0xa7: {  	s28 =	simm.s32 $_size_execute0_lowered;
	s3 =	sadd.s32 s3, s5;
	[dreg:$0x0] =	wrdreg $0x0  }
0xa8: {  	s5 =	sshll.u32 s28, $0x1;
	[dreg:$0x2] =	wrdreg s3  }
0xa9: {  	[dreg:$0x3] =	wrdreg s5  }
0xaa: {  	[dreg:$0x4] =	wrdreg $0xC0  }
0xab: {  	_ =	task [dreg:s7], $0x5FFFF  }
0xac: {  	[dreg:$0x1] =	wrdreg $0xFFFFFFFF  }
0xad: {  	[dreg:$0x0] =	wrdreg $0x60  }
0xae: {  	[dreg:$0x2] =	wrdreg s2  }
0xaf: {  	[dreg:$0x3] =	wrdreg s24  }
0xb0: {  	[dreg:$0x4] =	wrdreg $0x9  }
0xb1: {  	_ =	task.clear_ibuf [dreg:s7], $0x5FFFF;
	_ =	strace $0x90000046  }
0xb2: {  	s29 =	simm.s32 $0x9;
	_ =	strace $0x80000048  }
0xb3: {  	_ =	swait.ge [sflag:s29], $0x1  }
0xb4: {  	[sflag:s29] =	ssyncadd.s32 $0xFFFFFFFF  }
0xb5: {  	_ =	strace $0x90000048  }
0xb6: {  	_ =	sfence  }
0xb7: {  	s30 =	sld [smem:$0x0];
	_ =	sdelay $0x2  }
0xb8: {  	s31 =	sshll.u32 s1, $0xD;
	s1 =	sshrl.u32 s1, $0x2  }
0xb9: {  	s3 =	sand.u32 $0x4000, s31;
	s1 =	sadd.s32 s1, s30  }
0xba: {  	s0 =	sor.u32 s3, s0;
	s1 =	sshll.u32 s1, $0x11  }
0xbb: {  	s0 =	sor.u32 s1, s0  }
0xbc: {  	s0 =	sadd.s32 $0x8F2B, s0  }
0xbd: {  	[sflag:s0] =	ssyncadd.remote.s32 $0x1  }
0xbe: {  	_ =	sfence.sel $0xFFFF  }
0xbf: {  	[dreg:$0x0] =	wrdreg $0xFFFFFFFF;
	(pc) =	sbr.abs _section_cstart, $3  }
0xc0: {  	[dreg:$0x1] =	wrdreg $0xFFFFFFFF  }
0xc1: {  	_ =	task.clear_ibuf [dreg:s7], $0x2FFFF;
	_ =	strace $0x9FFFFFFF  }
0xc2: {  	(tm) =	ssettm $0x7FFFFFFF  }
0xc3: {  	_ =	shalt  }
tec
execute0_lowered:
.L_overlay_start_1:
0x0: {  	(tag) =	ssettag $0x1  }
0x1: {  	s3 =	rddreg [dreg:$0x0]  }
0x2: {  	s4 =	rddreg [dreg:$0x1]  }
0x3: {  	s0 =	rddreg [dreg:$0x2];
	s1 =	srdreg.scid  }
0x4: {  	s2 =	simm.s32 $0x0;
	s10 =	simm.s32 $0x400;
	s11 =	simm.s32 $0x8000  }
0x5: {  	s12 =	simm.s32 $0x1;
	s13 =	simm.s32 $0x10000;
	s14 =	simm.s32 $0x2  }
0x6: {  	s15 =	simm.s32 $0x0;
	s5 =	sand.u32 $0x1, s1;
	s1 =	stileid.u32  }
0x7: {  	[smem:$0x7FF] =	sst s2;
	s6 =	sshll.u32 s5, $0x6;
	s7 =	sshll.u32 s1, $0xF  }
0x8: {  	_ =	strace $0x80000047;
	s5 =	ssub.s32 $0x2, s5;
	s31 =	sshll.u32 s1, $0x7  }
0x9: {  	v0 =	vlaneseq.u32;
	s7 =	sor.u32 s6, s7;
	s8 =	sadd.s32 s6, s4;
	s30 =	sshrl.u32 s5, $0x1  }
0xa: {  	v1 =	vor.u32 $0x10, v0;
	s3 =	sadd.s32 s3, s7;
	s9 =	ssub.s32 s5, s30;
	s7 =	sadd.s32 s31, s8  }
0xb: {  	v2 =	vor.u32 $0x20, v0;
	v3 =	vor.u32 $0x30, v0;
	v4 =	vor.u32 $0x40, v0;
	s4 =	sadd.s32 $0x10, s3;
	s5 =	sadd.s32 $0x20, s3;
	s6 =	sadd.s32 $0x30, s3  }
0xc: {  	v5 =	vor.u32 $0x50, v0;
	v6 =	vor.u32 $0x60, v0;
	v7 =	vor.u32 $0x70, v0;
	s7 =	sadd.s32 $0x600, s7;
	s8 =	smax.u32 s9, $0x1;
	s9 =	simm.s32 $0x80  }
.LBB2_1:
0xd: {  	[tilespmem:s2], [sflag:$0x1] =	stream.strided.gather [hbm4b:s3+s9], $0x8000, s10, s9, $0x38;
	[tilespmem:$0x10200] =	vst v63  }
0xe: {  	_ = 	snop  }
0xf: {  	[tilespmem:s11], [sflag:$0x1] =	stream.strided.gather [hbm4b:s4+s9], $0x8000, s10, s9, $0x38;
	[tilespmem:$0x10200] =	vst v63  }
0x10: {  	_ =	swait.ge [sflag:s12], $0x8000  }
0x11: {  	[sflag:s12] =	ssyncset.done $0x0  }
0x12: {  	s16 =	simm.s32 $0x40;
	[sflag:s12] =	ssyncadd.s32 $0xFFFF8000  }
0x13: {  	v8 =	vld [tilespmem:s16+$0xFFFFFFF0]  }
0x14: {  	v10 =	vld [tilespmem:s16+$0xFFFFFFC0]  }
0x15: {  	v12 =	vld [tilespmem:s16+$0x30]  }
0x16: {  	v13 =	vld [tilespmem:s16+$0x10]  }
0x17: {  	v19 =	vld [tilespmem:s16+$0x20]  }
0x18: {  	v20 =	vld [tilespmem:s16+$0xFFFFFFE0]  }
0x19: {  	v28 =	vld [tilespmem:s16+$0xFFFFFFD0]  }
0x1a: {  	v9 =	vimm.f32 $-Inf;
	v25 =	vld [tilespmem:s16+$0x0]  }
0x1b: {  	v27 =	vimm.s32 $0x0;
	vm0 =	vgt.f32 v8, v9;
	vm1 =	vgt.f32 v10, v9  }
0x1c: {  	s18 =	simm.s32 $0xC0;
	v8 =	vmax.f32 v9, v8;
	v24 =	vmax.f32 v9, v10;
	v11 =	vmax.f32 v9, v12  }
0x1d: {  	v30 =	vld [tilespmem:s18+$0xFFFFFFC0];
	v15 =	vmax.f32 v9, v19;
	v16 =	vmax.f32 v9, v20;
	vm2 =	vgt.f32 v19, v9  }
0x1e: {  	v21 =	vld [tilespmem:s18+$0x30];
	vm3 =	vgt.f32 v28, v9;
	v26 =	vsel vm1, s2, v27;
	vm1 =	vgt.f32 v13, v9  }
0x1f: {  	v10 =	vld [tilespmem:s18+$0xFFFFFFF0];
	v13 =	vmax.f32 v9, v13;
	v17 =	vsel vm0, s2, v27;
	vm0 =	vgt.f32 v25, v9  }
0x20: {  	v32 =	vld [tilespmem:s18+$0x10];
	v23 =	vsel vm3, s2, v27;
	v14 =	vsel vm1, s2, v27;
	vm1 =	vgt.f32 v12, v9  }
0x21: {  	v22 =	vld [tilespmem:s18+$0x20];
	v25 =	vmax.f32 v9, v25;
	v19 =	vsel vm0, s2, v27;
	v18 =	vsel vm1, s2, v27  }
0x22: {  	v29 =	vld [tilespmem:s18+$0xFFFFFFE0];
	s16 =	simm.s32 $0x1;
	vm1 =	vgt.f32 v20, v9;
	v20 =	vsel vm2, s2, v27;
	vm2 =	vgt.f32 v30, v24  }
0x23: {  	v33 =	vmovc v16;
	v12 =	vmax.f32 v24, v30;
	v24 =	vld [tilespmem:s18+$0x0];
	v26 =	vsel vm2, s16, v26;
	v27 =	vsel vm1, s2, v27  }
0x24: {  	s17 =	simm.s32 $0x2;
	v31 =	vmovc v15;
	v30 =	vld [tilespmem:s18+$0xFFFFFFD0];
	s18 =	simm.s32 $0x140;
	vm0 =	vgt.f32 v10, v8;
	v10 =	vmax.f32 v8, v10;
	v8 =	vmax.f32 v11, v21  }
.LBB2_2:
0x25: {  	v34 =	vld [tilespmem:s18+$0xFFFFFFF0];
	p0 =	sne.s32 s17, $0xFF;
	vm1 =	vgt.f32 v32, v13;
	v13 =	vmax.f32 v13, v32;
	v9 =	vmax.f32 v9, v28;
	s19 =	smov.u32 s17;
	s17 =	sadd.s32 $0x1, s17  }
0x26: {  	v35 =	vld [tilespmem:s18+$0xFFFFFFC0];
	v14 =	vsel vm1, s16, v14;
	v15 =	vmax.f32 v15, v22;
	vm1 =	vgt.f32 v21, v11;
	v11 =	vmovc v8  }
0x27: {  	v17 =	vsel vm0, s16, v17;
	v21 =	vld [tilespmem:s18+$0x30];
	v16 =	vmax.f32 v16, v29;
	v18 =	vsel vm1, s16, v18  }
.Ltmp0:
0x28: {  	vm2 =	vgt.f32 v22, v31;
	vm1 =	vgt.f32 v29, v33;
	v31 =	vmovc v15;
	v32 =	vld [tilespmem:s18+$0x10];
	vm0 =	vgt.f32 v24, v25;
	(pc) =	sbr.rel @p0 .LBB2_2-.Ltmp0, $4  }
0x29: {  	v20 =	vsel vm2, s16, v20;
	v33 =	vmovc v16;
	v22 =	vld [tilespmem:s18+$0x20];
	vm3 =	vgt.f32 v30, v9;
	v19 =	vsel vm0, s16, v19;
	v28 =	vmovc v30  }
0x2a: {  	v29 =	vld [tilespmem:s18+$0xFFFFFFE0];
	vm0 =	vgt.f32 v34, v10;
	v10 =	vmax.f32 v10, v34;
	v23 =	vsel vm3, s16, v23  }
0x2b: {  	v25 =	vmax.f32 v25, v24;
	vm2 =	vgt.f32 v35, v12;
	v12 =	vmax.f32 v12, v35;
	v24 =	vld [tilespmem:s18+$0x0]  }
0x2c: {  	v27 =	vsel vm1, s16, v27;
	s16 =	smov.u32 s19;
	v26 =	vsel vm2, s19, v26;
	v30 =	vld [tilespmem:s18+$0xFFFFFFD0];
	v8 =	vmax.f32 v8, v21;
	s18 =	sadd.s32 $0x80, s18  }
0x2d: {  	vm1 =	vgt.f32 v32, v13  }
0x2e: {  	v13 =	vmax.f32 v13, v32;
	v9 =	vmax.f32 v9, v28;
	v14 =	vsel vm1, s16, v14  }
0x2f: {  	v15 =	vmax.f32 v15, v22;
	vm1 =	vgt.f32 v21, v11;
	vm2 =	vgt.f32 v22, v31  }
0x30: {  	v11 =	vmax.f32 v16, v29;
	v16 =	vsel vm0, s16, v17;
	v17 =	vsel vm1, s16, v18  }
0x31: {  	vm0 =	vgt.f32 v29, v33;
	vm1 =	vgt.f32 v24, v25;
	v21 =	vmax.f32 v25, v24  }
0x32: {  	v22 =	vsel vm0, s16, v27;
	vm3 =	vgt.f32 v30, v9;
	v18 =	vsel vm1, s16, v19  }
0x33: {  	v19 =	vsel vm2, s16, v20;
	v9 =	vmax.f32 v9, v30;
	v20 =	vsel vm3, s16, v23  }
0x34: {  	v22 =	vshll.u32 v22, $0x7;
	v23 =	vshll.u32 v26, $0x7;
	v20 =	vshll.u32 v20, $0x7  }
0x35: {  	vm0 =	vgt.f32 v9, v12;
	v23 =	vor.u32 v0, v23;
	v20 =	vor.u32 v1, v20  }
0x36: {  	v9 =	vmax.f32 v12, v9;
	v12 =	vor.u32 v2, v22;
	v20 =	vsel vm0, v20, v23  }
0x37: {  	vm0 =	vgt.f32 v11, v9;
	v9 =	vmax.f32 v9, v11;
	v11 =	vshll.u32 v16, $0x7  }
0x38: {  	v12 =	vsel vm0, v12, v20;
	v11 =	vor.u32 v3, v11;
	vm0 =	vgt.f32 v10, v9  }
0x39: {  	v9 =	vmax.f32 v9, v10;
	v10 =	vshll.u32 v18, $0x7;
	v11 =	vsel vm0, v11, v12  }
0x3a: {  	v10 =	vor.u32 v4, v10;
	vm0 =	vgt.f32 v21, v9;
	v12 =	vshll.u32 v14, $0x7  }
0x3b: {  	v9 =	vmax.f32 v9, v21;
	v10 =	vsel vm0, v10, v11;
	v11 =	vor.u32 v5, v12  }
0x3c: {  	vm0 =	vgt.f32 v13, v9;
	v9 =	vmax.f32 v9, v13;
	v12 =	vshll.u32 v19, $0x7  }
0x3d: {  	v10 =	vsel vm0, v11, v10;
	v11 =	vor.u32 v6, v12;
	vm0 =	vgt.f32 v15, v9  }
0x3e: {  	v9 =	vmax.f32 v9, v15;
	v10 =	vsel vm0, v11, v10;
	v11 =	vshll.u32 v17, $0x7  }
0x3f: {  	vm0 =	vgt.f32 v8, v9;
	v8 =	vmax.f32 v9, v8;
	v11 =	vor.u32 v7, v11  }
0x40: {  	(v2sf) =	vpush v8, $0x0;
	v9 =	vsel vm0, v11, v10  }
0x41: {  	(v2sf) =	vpush v9, $0x0  }
0x42: {  	(v2sf) =	vpush v8, $0x1;
	_ =	sdelay $0x1  }
0x43: {  	(v2sf) =	vpush v9, $0x1  }
0x44: {  	(v2sf) =	vpush v8, $0x2;
	_ =	sdelay $0x4  }
0x45: {  	(v2sf) =	vpush v9, $0x2  }
0x46: {  	(v2sf) =	vpush v8, $0x3;
	_ =	sdelay $0x3  }
0x47: {  	s17 =	spop (v2sf)  }
0x48: {  	(v2sf) =	vpush v9, $0x3;
	s16 =	spop (v2sf)  }
0x49: {  	(v2sf) =	vpush v8, $0x4;
	s18 =	spop (v2sf)  }
0x4a: {  	p0 =	sgt.f32 s18, s17  }
0x4b: {  	(v2sf) =	vpush v9, $0x4;
	s19 =	spop (v2sf)  }
0x4c: {  	(v2sf) =	vpush v8, $0x5;
	s17 =	smov.u32 @p0 s18;
	s18 =	spop (v2sf)  }
0x4d: {  	p1 =	sgt.f32 s18, s17  }
0x4e: {  	(v2sf) =	vpush v9, $0x5  }
0x4f: {  	(v2sf) =	vpush v8, $0x6;
	s20 =	simm.s32 @!p1 $0x0  }
0x50: {  	s20 =	simm.s32 @p1 $0x1  }
0x51: {  	(v2sf) =	vpush v9, $0x6;
	[smem:$0x7FC] =	sst s20;
	s20 =	spop (v2sf)  }
0x52: {  	(v2sf) =	vpush v8, $0x7;
	s17 =	smov.u32 @p1 s18;
	s18 =	spop (v2sf)  }
0x53: {  	p1 =	sgt.f32 s18, s17  }
0x54: {  	(v2sf) =	vpush v9, $0x7  }
0x55: {  	(v2sf) =	vpush v8, $0x8;
	s21 =	simm.s32 @!p1 $0x0  }
0x56: {  	s21 =	simm.s32 @p1 $0x1  }
0x57: {  	(v2sf) =	vpush v9, $0x8;
	[smem:$0x7FD] =	sst s21;
	s21 =	spop (v2sf)  }
0x58: {  	s17 =	smov.u32 @p1 s18;
	(v2sf) =	vpush v8, $0x9;
	s18 =	spop (v2sf)  }
0x59: {  	p3 =	sgt.f32 s18, s17  }
0x5a: {  	(v2sf) =	vpush v9, $0x9;
	s22 =	spop (v2sf)  }
0x5b: {  	(v2sf) =	vpush v8, $0xA;
	s17 =	smov.u32 @p3 s18;
	s18 =	spop (v2sf)  }
0x5c: {  	p4 =	sgt.f32 s18, s17  }
0x5d: {  	s23 =	spop (v2sf);
	(v2sf) =	vpush v9, $0xA  }
0x5e: {  	s17 =	smov.u32 @p4 s18;
	s18 =	spop (v2sf);
	(v2sf) =	vpush v8, $0xB  }
0x5f: {  	p5 =	sgt.f32 s18, s17  }
0x60: {  	s24 =	spop (v2sf);
	(v2sf) =	vpush v9, $0xB  }
0x61: {  	s17 =	smov.u32 @p5 s18;
	s18 =	spop (v2sf);
	(v2sf) =	vpush v8, $0xC  }
0x62: {  	p6 =	sgt.f32 s18, s17  }
0x63: {  	s25 =	spop (v2sf);
	(v2sf) =	vpush v9, $0xC  }
0x64: {  	s17 =	smov.u32 @p6 s18;
	s18 =	spop (v2sf);
	(v2sf) =	vpush v8, $0xD  }
0x65: {  	s28 =	sld [smem:$0x7FC];
	p1 =	sgt.f32 s18, s17  }
0x66: {  	s26 =	spop (v2sf);
	(v2sf) =	vpush v9, $0xD  }
0x67: {  	s29 =	sld [smem:$0x7FD];
	s17 =	smov.u32 @p1 s18;
	s18 =	spop (v2sf);
	(v2sf) =	vpush v8, $0xE  }
0x68: {  	s16 =	smov.u32 @p0 s19;
	p2 =	seq.s32 s28, $0x1;
	p0 =	sgt.f32 s18, s17  }
0x69: {  	s16 =	smov.u32 @p2 s20;
	s19 =	spop (v2sf);
	(v2sf) =	vpush v9, $0xE  }
0x6a: {  	p2 =	seq.s32 s29, $0x1;
	s17 =	smov.u32 @p0 s18;
	s18 =	spop (v2sf);
	(v2sf) =	vpush v8, $0xF  }
0x6b: {  	s16 =	smov.u32 @p2 s21;
	p2 =	sgt.f32 s18, s17  }
0x6c: {  	s20 =	spop (v2sf);
	(v2sf) =	vpush v9, $0xF  }
0x6d: {  	s17 =	smov.u32 @p2 s18;
	s18 =	spop (v2sf)  }
0x6e: {  	s16 =	smov.u32 @p3 s22;
	p3 =	sgt.f32 s18, s17  }
0x6f: {  	s21 =	spop (v2sf)  }
0x70: {  	s16 =	smov.u32 @p4 s23;
	s17 =	smov.u32 @p3 s18;
	s18 =	spop (v2sf)  }
0x71: {  	s16 =	smov.u32 @p5 s24;
	p4 =	sgt.f32 s18, s17  }
0x72: {  	s16 =	smov.u32 @p6 s25;
	s22 =	spop (v2sf)  }
0x73: {  	s16 =	smov.u32 @p1 s26;
	s17 =	smov.u32 @p4 s18;
	s18 =	spop (v2sf)  }
0x74: {  	s16 =	smov.u32 @p0 s19;
	p0 =	sgt.f32 s18, s17  }
0x75: {  	s19 =	spop (v2sf)  }
0x76: {  	s17 =	smov.u32 @p0 s18;
	s18 =	spop (v2sf)  }
0x77: {  	s16 =	smov.u32 @p2 s20;
	p1 =	sgt.f32 s18, s17  }
0x78: {  	s16 =	smov.u32 @p3 s21;
	s20 =	spop (v2sf)  }
0x79: {  	s16 =	smov.u32 @p4 s22;
	s17 =	smov.u32 @p1 s18;
	s30 =	spop (v2sf)  }
0x7a: {  	s16 =	smov.u32 @p0 s19;
	p0 =	sgt.f32 s30, s17  }
0x7b: {  	s16 =	smov.u32 @p1 s20;
	s17 =	spop (v2sf)  }
0x7c: {  	s16 =	smov.u32 @p0 s17  }
0x7d: {  	v8 =	vmov s16  }
0x7e: {  	s16 =	simm.s32 $0x0;
	[tilespmem:$0x10000] =	vst v8  }
0x7f: {  	[tilespmem:s16], [sflag:$0x1] =	stream.strided.gather [hbm4b:s5+s9], $0x8000, s10, s9, $0x38;
	[tilespmem:$0x10200] =	vst v63  }
0x80: {  	_ =	swait.ge [sflag:s12], $0x8000  }
0x81: {  	[sflag:s12] =	ssyncset.done $0x0  }
0x82: {  	s31 =	simm.s32 $0x0;
	[sflag:s12] =	ssyncadd.s32 $0xFFFF8000  }
0x83: {  	v12 =	vld [tilespmem:s31+$0x8070]  }
0x84: {  	v24 =	vimm.f32 $-Inf;
	v8 =	vld [tilespmem:s31+$0x8000]  }
0x85: {  	v22 =	vimm.f32 $-Inf;
	v23 =	vimm.s32 $0x0;
	v16 =	vimm.s32 $0x0;
	v10 =	vld [tilespmem:s31+$0x8010]  }
0x86: {  	v20 =	vimm.s32 $0x0;
	v18 =	vimm.f32 $-Inf;
	v14 =	vimm.s32 $0x0;
	v25 =	vld [tilespmem:s31+$0x8020]  }
0x87: {  	v21 =	vimm.s32 $0x0;
	v13 =	vimm.f32 $-Inf;
	v19 =	vimm.f32 $-Inf;
	v26 =	vld [tilespmem:s31+$0x8030]  }
0x88: {  	v15 =	vimm.f32 $-Inf;
	v17 =	vimm.s32 $0x0;
	v27 =	vld [tilespmem:s31+$0x8040];
	vm0 =	vgt.f32 v12, v13  }
0x89: {  	v28 =	vld [tilespmem:s31+$0x8050];
	vm1 =	vgt.f32 v8, v13;
	v11 =	vmax.f32 v13, v8;
	v8 =	vsel vm0, s16, v14  }
0x8a: {  	s18 =	simm.s32 $0x400;
	s17 =	simm.s32 $0x80;
	v29 =	vld [tilespmem:s31+$0x8060];
	v9 =	vsel vm1, s16, v14;
	vm0 =	vgt.f32 v10, v13;
	v10 =	vmax.f32 v13, v10  }
.LBB2_4:
0x8b: {  	p0 =	sne.s32 s18, $0x1FE00;
	v30 =	vld [tilespmem:s17+$0x8070];
	v14 =	vsel vm0, s16, v14;
	vm0 =	vgt.f32 v25, v13;
	v13 =	vmax.f32 v13, v25  }
0x8c: {  	v31 =	vld [tilespmem:s17+$0x8000];
	v23 =	vsel vm0, s16, v23;
	vm0 =	vgt.f32 v26, v24;
	v24 =	vmax.f32 v24, v26  }
0x8d: {  	v32 =	vld [tilespmem:s17+$0x8010];
	v21 =	vsel vm0, s16, v21;
	vm0 =	vgt.f32 v27, v19;
	v19 =	vmax.f32 v19, v27  }
.Ltmp1:
0x8e: {  	v25 =	vld [tilespmem:s17+$0x8020];
	v20 =	vsel vm0, s16, v20;
	vm0 =	vgt.f32 v28, v18;
	v18 =	vmax.f32 v18, v28;
	(pc) =	sbr.rel @p0 .LBB2_4-.Ltmp1, $4  }
0x8f: {  	v22 =	vmax.f32 v22, v12;
	v26 =	vld [tilespmem:s17+$0x8030];
	vm1 =	vgt.f32 v29, v15;
	v15 =	vmax.f32 v15, v29  }
0x90: {  	v16 =	vsel vm0, s16, v16;
	v27 =	vld [tilespmem:s17+$0x8040];
	vm2 =	vgt.f32 v30, v22;
	v17 =	vsel vm1, s16, v17;
	s16 =	sadd.s32 $0x1, s16;
	v12 =	vmovc v30  }
0x91: {  	vm0 =	vgt.f32 v31, v11;
	v11 =	vmax.f32 v11, v31;
	v28 =	vld [tilespmem:s17+$0x8050];
	v8 =	vsel vm2, s16, v8  }
0x92: {  	v9 =	vsel vm0, s16, v9;
	vm0 =	vgt.f32 v32, v10;
	v10 =	vmax.f32 v10, v32;
	v29 =	vld [tilespmem:s17+$0x8060];
	s17 =	sshra.s32 s18, $0x2;
	s18 =	sadd.s32 $0x200, s18  }
0x93: {  	v30 =	vld [tilespmem:s17+$0x8070];
	v14 =	vsel vm0, s16, v14;
	vm0 =	vgt.f32 v25, v13  }
0x94: {  	v13 =	vmax.f32 v13, v25;
	v25 =	vld [tilespmem:s17+$0x8000];
	v23 =	vsel vm0, s16, v23;
	vm0 =	vgt.f32 v26, v24  }
0x95: {  	v24 =	vmax.f32 v24, v26;
	v26 =	vld [tilespmem:s17+$0x8010];
	v21 =	vsel vm0, s16, v21;
	vm0 =	vgt.f32 v27, v19  }
0x96: {  	v12 =	vmax.f32 v22, v12;
	v19 =	vmax.f32 v19, v27;
	v20 =	vsel vm0, s16, v20  }
0x97: {  	v27 =	vld [tilespmem:s17+$0x8020];
	vm0 =	vgt.f32 v28, v18;
	v18 =	vmax.f32 v18, v28;
	vm1 =	vgt.f32 v29, v15  }
0x98: {  	v28 =	vld [tilespmem:s17+$0x8030];
	v15 =	vmax.f32 v15, v29;
	v16 =	vsel vm0, s16, v16;
	vm2 =	vgt.f32 v30, v12  }
0x99: {  	s29 =	sadd.s32 $0x1, s16;
	v17 =	vsel vm1, s16, v17;
	vm0 =	vgt.f32 v25, v11;
	v11 =	vmax.f32 v11, v25  }
0x9a: {  	v22 =	vld [tilespmem:s17+$0x8040];
	v12 =	vmax.f32 v12, v30;
	v9 =	vsel vm0, s29, v9;
	vm0 =	vgt.f32 v26, v10  }
0x9b: {  	v29 =	vld [tilespmem:s17+$0x8060];
	v8 =	vsel vm2, s29, v8;
	v10 =	vmax.f32 v10, v26;
	v14 =	vsel vm0, s29, v14  }
0x9c: {  	vm0 =	vgt.f32 v27, v13;
	v13 =	vmax.f32 v13, v27;
	v9 =	vshll.u32 v9, $0x7  }
0x9d: {  	v25 =	vld [tilespmem:s17+$0x8050];
	v8 =	vshll.u32 v8, $0x7;
	v23 =	vsel vm0, s29, v23;
	vm0 =	vgt.f32 v28, v24  }
0x9e: {  	v24 =	vmax.f32 v24, v28;
	v9 =	vor.u32 v0, v9;
	v14 =	vshll.u32 v14, $0x7  }
0x9f: {  	v8 =	vor.u32 v7, v8;
	v21 =	vsel vm0, s29, v21;
	vm0 =	vgt.f32 v22, v19  }
0xa0: {  	v19 =	vmax.f32 v19, v22;
	vm1 =	vgt.f32 v29, v15;
	v15 =	vmax.f32 v15, v29  }
0xa1: {  	v14 =	vor.u32 v1, v14;
	v22 =	vshll.u32 v23, $0x7;
	v20 =	vsel vm0, s29, v20  }
0xa2: {  	vm0 =	vgt.f32 v25, v18;
	v18 =	vmax.f32 v18, v25;
	v17 =	vsel vm1, s29, v17  }
0xa3: {  	v16 =	vsel vm0, s29, v16;
	vm0 =	vgt.f32 v10, v11;
	v10 =	vmax.f32 v11, v10  }
0xa4: {  	v11 =	vor.u32 v2, v22;
	v9 =	vsel vm0, v14, v9;
	vm0 =	vgt.f32 v13, v10  }
0xa5: {  	v10 =	vmax.f32 v10, v13;
	v13 =	vshll.u32 v21, $0x7;
	v9 =	vsel vm0, v11, v9  }
0xa6: {  	v11 =	vor.u32 v3, v13;
	vm0 =	vgt.f32 v24, v10;
	v10 =	vmax.f32 v10, v24  }
0xa7: {  	v13 =	vshll.u32 v16, $0x7;
	v9 =	vsel vm0, v11, v9;
	v11 =	vshll.u32 v20, $0x7  }
0xa8: {  	vm0 =	vgt.f32 v19, v10;
	v10 =	vmax.f32 v10, v19;
	v11 =	vor.u32 v4, v11  }
0xa9: {  	v9 =	vsel vm0, v11, v9;
	v11 =	vor.u32 v5, v13;
	vm0 =	vgt.f32 v18, v10  }
0xaa: {  	v10 =	vmax.f32 v10, v18;
	v13 =	vshll.u32 v17, $0x7;
	v9 =	vsel vm0, v11, v9  }
0xab: {  	v11 =	vor.u32 v6, v13;
	vm0 =	vgt.f32 v15, v10;
	v10 =	vmax.f32 v10, v15  }
0xac: {  	v9 =	vsel vm0, v11, v9;
	vm0 =	vgt.f32 v12, v10;
	v10 =	vmax.f32 v10, v12  }
0xad: {  	v8 =	vsel vm0, v8, v9;
	(v2sf) =	vpush v10, $0x0  }
0xae: {  	(v2sf) =	vpush v8, $0x0  }
0xaf: {  	(v2sf) =	vpush v10, $0x1;
	_ =	sdelay $0x1  }
0xb0: {  	(v2sf) =	vpush v8, $0x1  }
0xb1: {  	(v2sf) =	vpush v10, $0x2;
	_ =	sdelay $0x4  }
0xb2: {  	(v2sf) =	vpush v8, $0x2  }
0xb3: {  	(v2sf) =	vpush v10, $0x3;
	_ =	sdelay $0x3  }
0xb4: {  	s17 =	spop (v2sf)  }
0xb5: {  	(v2sf) =	vpush v8, $0x3;
	s16 =	spop (v2sf)  }
0xb6: {  	(v2sf) =	vpush v10, $0x4;
	s18 =	spop (v2sf)  }
0xb7: {  	p0 =	sgt.f32 s18, s17  }
0xb8: {  	(v2sf) =	vpush v8, $0x4;
	s19 =	spop (v2sf)  }
0xb9: {  	(v2sf) =	vpush v10, $0x5;
	s17 =	smov.u32 @p0 s18;
	s18 =	spop (v2sf)  }
0xba: {  	p1 =	sgt.f32 s18, s17  }
0xbb: {  	(v2sf) =	vpush v8, $0x5  }
0xbc: {  	(v2sf) =	vpush v10, $0x6;
	s20 =	simm.s32 @!p1 $0x0  }
0xbd: {  	s20 =	simm.s32 @p1 $0x1  }
0xbe: {  	(v2sf) =	vpush v8, $0x6;
	[smem:$0x7FA] =	sst s20;
	s20 =	spop (v2sf)  }
0xbf: {  	(v2sf) =	vpush v10, $0x7;
	s17 =	smov.u32 @p1 s18;
	s18 =	spop (v2sf)  }
0xc0: {  	p1 =	sgt.f32 s18, s17  }
0xc1: {  	(v2sf) =	vpush v8, $0x7  }
0xc2: {  	(v2sf) =	vpush v10, $0x8;
	s21 =	simm.s32 @!p1 $0x0  }
0xc3: {  	s21 =	simm.s32 @p1 $0x1  }
0xc4: {  	(v2sf) =	vpush v8, $0x8;
	[smem:$0x7FB] =	sst s21;
	s21 =	spop (v2sf)  }
0xc5: {  	s17 =	smov.u32 @p1 s18;
	(v2sf) =	vpush v10, $0x9;
	s18 =	spop (v2sf)  }
0xc6: {  	p3 =	sgt.f32 s18, s17  }
0xc7: {  	(v2sf) =	vpush v8, $0x9;
	s22 =	spop (v2sf)  }
0xc8: {  	(v2sf) =	vpush v10, $0xA;
	s17 =	smov.u32 @p3 s18;
	s18 =	spop (v2sf)  }
0xc9: {  	p4 =	sgt.f32 s18, s17  }
0xca: {  	s23 =	spop (v2sf);
	(v2sf) =	vpush v8, $0xA  }
0xcb: {  	s17 =	smov.u32 @p4 s18;
	s18 =	spop (v2sf);
	(v2sf) =	vpush v10, $0xB  }
0xcc: {  	p5 =	sgt.f32 s18, s17  }
0xcd: {  	s24 =	spop (v2sf);
	(v2sf) =	vpush v8, $0xB  }
0xce: {  	s17 =	smov.u32 @p5 s18;
	s18 =	spop (v2sf);
	(v2sf) =	vpush v10, $0xC  }
0xcf: {  	p6 =	sgt.f32 s18, s17  }
0xd0: {  	s25 =	spop (v2sf);
	(v2sf) =	vpush v8, $0xC  }
0xd1: {  	s17 =	smov.u32 @p6 s18;
	s18 =	spop (v2sf);
	(v2sf) =	vpush v10, $0xD  }
0xd2: {  	s30 =	sld [smem:$0x7FA];
	p1 =	sgt.f32 s18, s17  }
0xd3: {  	s26 =	spop (v2sf);
	(v2sf) =	vpush v8, $0xD  }
0xd4: {  	s31 =	sld [smem:$0x7FB];
	s17 =	smov.u32 @p1 s18;
	s18 =	spop (v2sf);
	(v2sf) =	vpush v10, $0xE  }
0xd5: {  	s16 =	smov.u32 @p0 s19;
	p2 =	seq.s32 s30, $0x1;
	p0 =	sgt.f32 s18, s17  }
0xd6: {  	s16 =	smov.u32 @p2 s20;
	s19 =	spop (v2sf);
	(v2sf) =	vpush v8, $0xE  }
0xd7: {  	p2 =	seq.s32 s31, $0x1;
	s17 =	smov.u32 @p0 s18;
	s18 =	spop (v2sf);
	(v2sf) =	vpush v10, $0xF  }
0xd8: {  	s16 =	smov.u32 @p2 s21;
	p2 =	sgt.f32 s18, s17  }
0xd9: {  	s20 =	spop (v2sf);
	(v2sf) =	vpush v8, $0xF  }
0xda: {  	s17 =	smov.u32 @p2 s18;
	s18 =	spop (v2sf)  }
0xdb: {  	s16 =	smov.u32 @p3 s22;
	p3 =	sgt.f32 s18, s17  }
0xdc: {  	s21 =	spop (v2sf)  }
0xdd: {  	s16 =	smov.u32 @p4 s23;
	s17 =	smov.u32 @p3 s18;
	s18 =	spop (v2sf)  }
0xde: {  	s16 =	smov.u32 @p5 s24;
	p4 =	sgt.f32 s18, s17  }
0xdf: {  	s16 =	smov.u32 @p6 s25;
	s22 =	spop (v2sf)  }
0xe0: {  	s16 =	smov.u32 @p1 s26;
	s17 =	smov.u32 @p4 s18;
	s18 =	spop (v2sf)  }
0xe1: {  	s16 =	smov.u32 @p0 s19;
	p0 =	sgt.f32 s18, s17  }
0xe2: {  	s19 =	spop (v2sf)  }
0xe3: {  	s17 =	smov.u32 @p0 s18;
	s18 =	spop (v2sf)  }
0xe4: {  	s16 =	smov.u32 @p2 s20;
	p1 =	sgt.f32 s18, s17  }
0xe5: {  	s16 =	smov.u32 @p3 s21;
	s20 =	spop (v2sf)  }
0xe6: {  	s16 =	smov.u32 @p4 s22;
	s17 =	smov.u32 @p1 s18;
	s28 =	spop (v2sf)  }
0xe7: {  	s16 =	smov.u32 @p0 s19;
	p0 =	sgt.f32 s28, s17  }
0xe8: {  	s16 =	smov.u32 @p1 s20;
	s17 =	spop (v2sf)  }
0xe9: {  	s16 =	smov.u32 @p0 s17  }
0xea: {  	v8 =	vmov s16  }
0xeb: {  	[tilespmem:$0x10080] =	vst v8  }
0xec: {  	[tilespmem:s11], [sflag:$0x1] =	stream.strided.gather [hbm4b:s6+s9], $0x8000, s10, s9, $0x38;
	[tilespmem:$0x10200] =	vst v63  }
0xed: {  	_ =	swait.ge [sflag:s12], $0x8000  }
0xee: {  	[sflag:s12] =	ssyncset.done $0x0  }
0xef: {  	s29 =	simm.s32 $0x40;
	[sflag:s12] =	ssyncadd.s32 $0xFFFF8000  }
0xf0: {  	v8 =	vld [tilespmem:s29+$0xFFFFFFF0]  }
0xf1: {  	v10 =	vld [tilespmem:s29+$0xFFFFFFC0]  }
0xf2: {  	v12 =	vld [tilespmem:s29+$0x30]  }
0xf3: {  	v13 =	vld [tilespmem:s29+$0x10]  }
0xf4: {  	v19 =	vld [tilespmem:s29+$0x20]  }
0xf5: {  	v20 =	vld [tilespmem:s29+$0xFFFFFFE0]  }
0xf6: {  	v28 =	vld [tilespmem:s29+$0xFFFFFFD0]  }
0xf7: {  	v9 =	vimm.f32 $-Inf;
	v25 =	vld [tilespmem:s29+$0x0]  }
0xf8: {  	v27 =	vimm.s32 $0x0;
	vm0 =	vgt.f32 v8, v9;
	vm1 =	vgt.f32 v10, v9  }
0xf9: {  	s31 =	simm.s32 $0xC0;
	v8 =	vmax.f32 v9, v8;
	v24 =	vmax.f32 v9, v10;
	v11 =	vmax.f32 v9, v12  }
0xfa: {  	s30 =	simm.s32 $0x0;
	v30 =	vld [tilespmem:s31+$0xFFFFFFC0];
	v15 =	vmax.f32 v9, v19;
	v16 =	vmax.f32 v9, v20;
	vm2 =	vgt.f32 v19, v9  }
0xfb: {  	v21 =	vld [tilespmem:s31+$0x30];
	vm3 =	vgt.f32 v28, v9;
	v26 =	vsel vm1, s30, v27;
	vm1 =	vgt.f32 v13, v9  }
0xfc: {  	v10 =	vld [tilespmem:s31+$0xFFFFFFF0];
	v13 =	vmax.f32 v9, v13;
	v17 =	vsel vm0, s30, v27;
	vm0 =	vgt.f32 v25, v9  }
0xfd: {  	v32 =	vld [tilespmem:s31+$0x10];
	v23 =	vsel vm3, s30, v27;
	v14 =	vsel vm1, s30, v27;
	vm1 =	vgt.f32 v12, v9  }
0xfe: {  	v22 =	vld [tilespmem:s31+$0x20];
	v25 =	vmax.f32 v9, v25;
	v19 =	vsel vm0, s30, v27;
	v18 =	vsel vm1, s30, v27  }
0xff: {  	s16 =	simm.s32 $0x1;
	v29 =	vld [tilespmem:s31+$0xFFFFFFE0];
	vm1 =	vgt.f32 v20, v9;
	v20 =	vsel vm2, s30, v27;
	vm2 =	vgt.f32 v30, v24  }
0x100: {  	v33 =	vmovc v16;
	v12 =	vmax.f32 v24, v30;
	v24 =	vld [tilespmem:s31+$0x0];
	v26 =	vsel vm2, s16, v26;
	v27 =	vsel vm1, s30, v27  }
0x101: {  	s18 =	simm.s32 $0x140;
	s17 =	simm.s32 $0x2;
	v31 =	vmovc v15;
	v30 =	vld [tilespmem:s31+$0xFFFFFFD0];
	vm0 =	vgt.f32 v10, v8;
	v10 =	vmax.f32 v8, v10;
	v8 =	vmax.f32 v11, v21  }
.LBB2_6:
0x102: {  	v34 =	vld [tilespmem:s18+$0xFFFFFFF0];
	p0 =	sne.s32 s17, $0xFF;
	vm1 =	vgt.f32 v32, v13;
	v13 =	vmax.f32 v13, v32;
	v9 =	vmax.f32 v9, v28;
	s19 =	smov.u32 s17;
	s17 =	sadd.s32 $0x1, s17  }
0x103: {  	v35 =	vld [tilespmem:s18+$0xFFFFFFC0];
	v14 =	vsel vm1, s16, v14;
	v15 =	vmax.f32 v15, v22;
	vm1 =	vgt.f32 v21, v11;
	v11 =	vmovc v8  }
0x104: {  	v17 =	vsel vm0, s16, v17;
	v21 =	vld [tilespmem:s18+$0x30];
	v16 =	vmax.f32 v16, v29;
	v18 =	vsel vm1, s16, v18  }
.Ltmp2:
0x105: {  	vm2 =	vgt.f32 v22, v31;
	vm1 =	vgt.f32 v29, v33;
	v31 =	vmovc v15;
	v32 =	vld [tilespmem:s18+$0x10];
	vm0 =	vgt.f32 v24, v25;
	(pc) =	sbr.rel @p0 .LBB2_6-.Ltmp2, $4  }
0x106: {  	v20 =	vsel vm2, s16, v20;
	v33 =	vmovc v16;
	v22 =	vld [tilespmem:s18+$0x20];
	vm3 =	vgt.f32 v30, v9;
	v19 =	vsel vm0, s16, v19;
	v28 =	vmovc v30  }
0x107: {  	v29 =	vld [tilespmem:s18+$0xFFFFFFE0];
	vm0 =	vgt.f32 v34, v10;
	v10 =	vmax.f32 v10, v34;
	v23 =	vsel vm3, s16, v23  }
0x108: {  	v25 =	vmax.f32 v25, v24;
	vm2 =	vgt.f32 v35, v12;
	v12 =	vmax.f32 v12, v35;
	v24 =	vld [tilespmem:s18+$0x0]  }
0x109: {  	v27 =	vsel vm1, s16, v27;
	s16 =	smov.u32 s19;
	v26 =	vsel vm2, s19, v26;
	v30 =	vld [tilespmem:s18+$0xFFFFFFD0];
	v8 =	vmax.f32 v8, v21;
	s18 =	sadd.s32 $0x80, s18  }
0x10a: {  	vm1 =	vgt.f32 v32, v13  }
0x10b: {  	v13 =	vmax.f32 v13, v32;
	v9 =	vmax.f32 v9, v28;
	v14 =	vsel vm1, s16, v14  }
0x10c: {  	v15 =	vmax.f32 v15, v22;
	vm1 =	vgt.f32 v21, v11;
	vm2 =	vgt.f32 v22, v31  }
0x10d: {  	v11 =	vmax.f32 v16, v29;
	v16 =	vsel vm0, s16, v17;
	v17 =	vsel vm1, s16, v18  }
0x10e: {  	vm0 =	vgt.f32 v29, v33;
	vm1 =	vgt.f32 v24, v25;
	v21 =	vmax.f32 v25, v24  }
0x10f: {  	v22 =	vsel vm0, s16, v27;
	vm3 =	vgt.f32 v30, v9;
	v18 =	vsel vm1, s16, v19  }
0x110: {  	v19 =	vsel vm2, s16, v20;
	v9 =	vmax.f32 v9, v30;
	v20 =	vsel vm3, s16, v23  }
0x111: {  	v22 =	vshll.u32 v22, $0x7;
	v23 =	vshll.u32 v26, $0x7;
	v20 =	vshll.u32 v20, $0x7  }
0x112: {  	vm0 =	vgt.f32 v9, v12;
	v23 =	vor.u32 v0, v23;
	v20 =	vor.u32 v1, v20  }
0x113: {  	v9 =	vmax.f32 v12, v9;
	v12 =	vor.u32 v2, v22;
	v20 =	vsel vm0, v20, v23  }
0x114: {  	vm0 =	vgt.f32 v11, v9;
	v9 =	vmax.f32 v9, v11;
	v11 =	vshll.u32 v16, $0x7  }
0x115: {  	v12 =	vsel vm0, v12, v20;
	v11 =	vor.u32 v3, v11;
	vm0 =	vgt.f32 v10, v9  }
0x116: {  	v9 =	vmax.f32 v9, v10;
	v10 =	vshll.u32 v18, $0x7;
	v11 =	vsel vm0, v11, v12  }
0x117: {  	v10 =	vor.u32 v4, v10;
	vm0 =	vgt.f32 v21, v9;
	v12 =	vshll.u32 v14, $0x7  }
0x118: {  	v9 =	vmax.f32 v9, v21;
	v10 =	vsel vm0, v10, v11;
	v11 =	vor.u32 v5, v12  }
0x119: {  	vm0 =	vgt.f32 v13, v9;
	v9 =	vmax.f32 v9, v13;
	v12 =	vshll.u32 v19, $0x7  }
0x11a: {  	v10 =	vsel vm0, v11, v10;
	v11 =	vor.u32 v6, v12;
	vm0 =	vgt.f32 v15, v9  }
0x11b: {  	v9 =	vmax.f32 v9, v15;
	v10 =	vsel vm0, v11, v10;
	v11 =	vshll.u32 v17, $0x7  }
0x11c: {  	vm0 =	vgt.f32 v8, v9;
	v8 =	vmax.f32 v9, v8;
	v11 =	vor.u32 v7, v11  }
0x11d: {  	(v2sf) =	vpush v8, $0x0;
	v9 =	vsel vm0, v11, v10  }
0x11e: {  	(v2sf) =	vpush v9, $0x0  }
0x11f: {  	(v2sf) =	vpush v8, $0x1;
	_ =	sdelay $0x1  }
0x120: {  	(v2sf) =	vpush v9, $0x1  }
0x121: {  	(v2sf) =	vpush v8, $0x2;
	_ =	sdelay $0x4  }
0x122: {  	(v2sf) =	vpush v9, $0x2  }
0x123: {  	(v2sf) =	vpush v8, $0x3;
	_ =	sdelay $0x3  }
0x124: {  	s17 =	spop (v2sf)  }
0x125: {  	(v2sf) =	vpush v9, $0x3;
	s16 =	spop (v2sf)  }
0x126: {  	(v2sf) =	vpush v8, $0x4;
	s18 =	spop (v2sf)  }
0x127: {  	p0 =	sgt.f32 s18, s17  }
0x128: {  	(v2sf) =	vpush v9, $0x4;
	s19 =	spop (v2sf)  }
0x129: {  	(v2sf) =	vpush v8, $0x5;
	s17 =	smov.u32 @p0 s18;
	s18 =	spop (v2sf)  }
0x12a: {  	p1 =	sgt.f32 s18, s17  }
0x12b: {  	(v2sf) =	vpush v9, $0x5  }
0x12c: {  	(v2sf) =	vpush v8, $0x6;
	s20 =	simm.s32 @!p1 $0x0  }
0x12d: {  	s20 =	simm.s32 @p1 $0x1  }
0x12e: {  	(v2sf) =	vpush v9, $0x6;
	[smem:$0x7F8] =	sst s20;
	s20 =	spop (v2sf)  }
0x12f: {  	(v2sf) =	vpush v8, $0x7;
	s17 =	smov.u32 @p1 s18;
	s18 =	spop (v2sf)  }
0x130: {  	p1 =	sgt.f32 s18, s17  }
0x131: {  	(v2sf) =	vpush v9, $0x7  }
0x132: {  	(v2sf) =	vpush v8, $0x8;
	s21 =	simm.s32 @!p1 $0x0  }
0x133: {  	s21 =	simm.s32 @p1 $0x1  }
0x134: {  	(v2sf) =	vpush v9, $0x8;
	[smem:$0x7F9] =	sst s21;
	s21 =	spop (v2sf)  }
0x135: {  	s17 =	smov.u32 @p1 s18;
	(v2sf) =	vpush v8, $0x9;
	s18 =	spop (v2sf)  }
0x136: {  	p3 =	sgt.f32 s18, s17  }
0x137: {  	(v2sf) =	vpush v9, $0x9;
	s22 =	spop (v2sf)  }
0x138: {  	(v2sf) =	vpush v8, $0xA;
	s17 =	smov.u32 @p3 s18;
	s18 =	spop (v2sf)  }
0x139: {  	p4 =	sgt.f32 s18, s17  }
0x13a: {  	s23 =	spop (v2sf);
	(v2sf) =	vpush v9, $0xA  }
0x13b: {  	s17 =	smov.u32 @p4 s18;
	s18 =	spop (v2sf);
	(v2sf) =	vpush v8, $0xB  }
0x13c: {  	p5 =	sgt.f32 s18, s17  }
0x13d: {  	s24 =	spop (v2sf);
	(v2sf) =	vpush v9, $0xB  }
0x13e: {  	s17 =	smov.u32 @p5 s18;
	s18 =	spop (v2sf);
	(v2sf) =	vpush v8, $0xC  }
0x13f: {  	p6 =	sgt.f32 s18, s17  }
0x140: {  	s25 =	spop (v2sf);
	(v2sf) =	vpush v9, $0xC  }
0x141: {  	s17 =	smov.u32 @p6 s18;
	s18 =	spop (v2sf);
	(v2sf) =	vpush v8, $0xD  }
0x142: {  	s28 =	sld [smem:$0x7F8];
	p1 =	sgt.f32 s18, s17  }
0x143: {  	s26 =	spop (v2sf);
	(v2sf) =	vpush v9, $0xD  }
0x144: {  	s29 =	sld [smem:$0x7F9];
	s17 =	smov.u32 @p1 s18;
	s18 =	spop (v2sf);
	(v2sf) =	vpush v8, $0xE  }
0x145: {  	s16 =	smov.u32 @p0 s19;
	p2 =	seq.s32 s28, $0x1;
	p0 =	sgt.f32 s18, s17  }
0x146: {  	s16 =	smov.u32 @p2 s20;
	s19 =	spop (v2sf);
	(v2sf) =	vpush v9, $0xE  }
0x147: {  	p2 =	seq.s32 s29, $0x1;
	s17 =	smov.u32 @p0 s18;
	s18 =	spop (v2sf);
	(v2sf) =	vpush v8, $0xF  }
0x148: {  	s16 =	smov.u32 @p2 s21;
	p2 =	sgt.f32 s18, s17  }
0x149: {  	s20 =	spop (v2sf);
	(v2sf) =	vpush v9, $0xF  }
0x14a: {  	s17 =	smov.u32 @p2 s18;
	s18 =	spop (v2sf)  }
0x14b: {  	s16 =	smov.u32 @p3 s22;
	p3 =	sgt.f32 s18, s17  }
0x14c: {  	s21 =	spop (v2sf)  }
0x14d: {  	s16 =	smov.u32 @p4 s23;
	s17 =	smov.u32 @p3 s18;
	s18 =	spop (v2sf)  }
0x14e: {  	s16 =	smov.u32 @p5 s24;
	p4 =	sgt.f32 s18, s17  }
0x14f: {  	s16 =	smov.u32 @p6 s25;
	s22 =	spop (v2sf)  }
0x150: {  	s16 =	smov.u32 @p1 s26;
	s17 =	smov.u32 @p4 s18;
	s18 =	spop (v2sf)  }
0x151: {  	s16 =	smov.u32 @p0 s19;
	p0 =	sgt.f32 s18, s17  }
0x152: {  	s19 =	spop (v2sf)  }
0x153: {  	s17 =	smov.u32 @p0 s18;
	s18 =	spop (v2sf)  }
0x154: {  	s16 =	smov.u32 @p2 s20;
	p1 =	sgt.f32 s18, s17  }
0x155: {  	s16 =	smov.u32 @p3 s21;
	s20 =	spop (v2sf)  }
0x156: {  	s16 =	smov.u32 @p4 s22;
	s17 =	smov.u32 @p1 s18;
	s30 =	spop (v2sf)  }
0x157: {  	s16 =	smov.u32 @p0 s19;
	p0 =	sgt.f32 s30, s17  }
0x158: {  	s16 =	smov.u32 @p1 s20;
	s17 =	spop (v2sf)  }
0x159: {  	s16 =	smov.u32 @p0 s17  }
0x15a: {  	v8 =	vmov s16  }
0x15b: {  	[tilespmem:$0x10100] =	vst v8  }
0x15c: {  	_ =	swait.ge [sflag:s12], $0x8000  }
0x15d: {  	[sflag:s12] =	ssyncset.done $0x0  }
0x15e: {  	s31 =	simm.s32 $0x0;
	[sflag:s12] =	ssyncadd.s32 $0xFFFF8000  }
0x15f: {  	v12 =	vld [tilespmem:s31+$0x8070]  }
0x160: {  	v24 =	vimm.f32 $-Inf;
	v8 =	vld [tilespmem:s31+$0x8000]  }
0x161: {  	v22 =	vimm.f32 $-Inf;
	v23 =	vimm.s32 $0x0;
	v16 =	vimm.s32 $0x0;
	v10 =	vld [tilespmem:s31+$0x8010]  }
0x162: {  	v20 =	vimm.s32 $0x0;
	v18 =	vimm.f32 $-Inf;
	v14 =	vimm.s32 $0x0;
	v25 =	vld [tilespmem:s31+$0x8020]  }
0x163: {  	v21 =	vimm.s32 $0x0;
	v13 =	vimm.f32 $-Inf;
	v19 =	vimm.f32 $-Inf;
	v26 =	vld [tilespmem:s31+$0x8030]  }
0x164: {  	v15 =	vimm.f32 $-Inf;
	v17 =	vimm.s32 $0x0;
	s16 =	simm.s32 $0x0;
	v27 =	vld [tilespmem:s31+$0x8040];
	vm0 =	vgt.f32 v12, v13  }
0x165: {  	v28 =	vld [tilespmem:s31+$0x8050];
	vm1 =	vgt.f32 v8, v13;
	v11 =	vmax.f32 v13, v8;
	v8 =	vsel vm0, s16, v14  }
0x166: {  	s18 =	simm.s32 $0x400;
	s17 =	simm.s32 $0x80;
	v29 =	vld [tilespmem:s31+$0x8060];
	v9 =	vsel vm1, s16, v14;
	vm0 =	vgt.f32 v10, v13;
	v10 =	vmax.f32 v13, v10  }
.LBB2_8:
0x167: {  	p0 =	sne.s32 s18, $0x1FE00;
	v30 =	vld [tilespmem:s17+$0x8070];
	v14 =	vsel vm0, s16, v14;
	vm0 =	vgt.f32 v25, v13;
	v13 =	vmax.f32 v13, v25  }
0x168: {  	v31 =	vld [tilespmem:s17+$0x8000];
	v23 =	vsel vm0, s16, v23;
	vm0 =	vgt.f32 v26, v24;
	v24 =	vmax.f32 v24, v26  }
0x169: {  	v32 =	vld [tilespmem:s17+$0x8010];
	v21 =	vsel vm0, s16, v21;
	vm0 =	vgt.f32 v27, v19;
	v19 =	vmax.f32 v19, v27  }
.Ltmp3:
0x16a: {  	v25 =	vld [tilespmem:s17+$0x8020];
	v20 =	vsel vm0, s16, v20;
	vm0 =	vgt.f32 v28, v18;
	v18 =	vmax.f32 v18, v28;
	(pc) =	sbr.rel @p0 .LBB2_8-.Ltmp3, $4  }
0x16b: {  	v22 =	vmax.f32 v22, v12;
	v26 =	vld [tilespmem:s17+$0x8030];
	vm1 =	vgt.f32 v29, v15;
	v15 =	vmax.f32 v15, v29  }
0x16c: {  	v16 =	vsel vm0, s16, v16;
	v27 =	vld [tilespmem:s17+$0x8040];
	vm2 =	vgt.f32 v30, v22;
	v17 =	vsel vm1, s16, v17;
	s16 =	sadd.s32 $0x1, s16;
	v12 =	vmovc v30  }
0x16d: {  	vm0 =	vgt.f32 v31, v11;
	v11 =	vmax.f32 v11, v31;
	v28 =	vld [tilespmem:s17+$0x8050];
	v8 =	vsel vm2, s16, v8  }
0x16e: {  	v9 =	vsel vm0, s16, v9;
	vm0 =	vgt.f32 v32, v10;
	v10 =	vmax.f32 v10, v32;
	v29 =	vld [tilespmem:s17+$0x8060];
	s17 =	sshra.s32 s18, $0x2;
	s18 =	sadd.s32 $0x200, s18  }
0x16f: {  	v30 =	vld [tilespmem:s17+$0x8070]  }
0x170: {  	v42 =	vld [tilespmem:s17+$0x8000]  }
0x171: {  	v14 =	vsel vm0, s16, v14;
	vm10 =	vgt.f32 v25, v13;
	v44 =	vld [tilespmem:s17+$0x8010]  }
0x172: {  	v41 =	vmax.f32 v13, v25;
	v46 =	vld [tilespmem:s17+$0x8020];
	v12 =	vmax.f32 v22, v12;
	v23 =	vsel vm10, s16, v23  }
0x173: {  	v48 =	vld [tilespmem:s17+$0x8030];
	vm11 =	vgt.f32 v26, v24;
	v43 =	vmax.f32 v24, v26;
	vm12 =	vgt.f32 v27, v19  }
0x174: {  	v50 =	vld [tilespmem:s17+$0x8040];
	v21 =	vsel vm11, s16, v21;
	v45 =	vmax.f32 v19, v27;
	v20 =	vsel vm12, s16, v20  }
0x175: {  	v52 =	vld [tilespmem:s17+$0x8050];
	vm13 =	vgt.f32 v28, v18;
	v47 =	vmax.f32 v18, v28;
	vm1 =	vgt.f32 v29, v15  }
0x176: {  	v53 =	vld [tilespmem:s17+$0x8060];
	v49 =	vmax.f32 v15, v29;
	v16 =	vsel vm13, s16, v16;
	vm2 =	vgt.f32 v30, v12  }
0x177: {  	v17 =	vsel vm1, s16, v17;
	vm14 =	vgt.f32 v42, v11;
	v51 =	vmax.f32 v11, v42  }
0x178: {  	vm15 =	vgt.f32 v44, v10;
	v54 =	vmax.f32 v10, v44;
	vm4 =	vgt.f32 v46, v41  }
0x179: {  	v13 =	vmax.f32 v41, v46;
	vm5 =	vgt.f32 v48, v43;
	v24 =	vmax.f32 v43, v48  }
0x17a: {  	vm6 =	vgt.f32 v50, v45;
	v19 =	vmax.f32 v45, v50;
	vm7 =	vgt.f32 v52, v47  }
0x17b: {  	s28 =	sadd.s32 $0x1, s16;
	v18 =	vmax.f32 v47, v52;
	vm8 =	vgt.f32 v53, v49;
	v15 =	vmax.f32 v49, v53  }
0x17c: {  	v12 =	vmax.f32 v12, v30;
	v8 =	vsel vm2, s28, v8;
	v9 =	vsel vm14, s28, v9  }
0x17d: {  	v14 =	vsel vm15, s28, v14;
	v23 =	vsel vm4, s28, v23;
	v21 =	vsel vm5, s28, v21  }
0x17e: {  	v20 =	vsel vm6, s28, v20;
	v16 =	vsel vm7, s28, v16;
	v17 =	vsel vm8, s28, v17  }
0x17f: {  	vm9 =	vgt.f32 v54, v51;
	v10 =	vmax.f32 v51, v54;
	v9 =	vshll.u32 v9, $0x7  }
0x180: {  	v14 =	vshll.u32 v14, $0x7;
	v55 =	vshll.u32 v23, $0x7;
	vm10 =	vgt.f32 v13, v10  }
0x181: {  	v10 =	vmax.f32 v10, v13;
	v57 =	vshll.u32 v21, $0x7;
	v59 =	vshll.u32 v20, $0x7  }
0x182: {  	v60 =	vshll.u32 v16, $0x7;
	v62 =	vshll.u32 v17, $0x7;
	v8 =	vshll.u32 v8, $0x7  }
0x183: {  	v9 =	vor.u32 v0, v9;
	v14 =	vor.u32 v1, v14;
	v56 =	vor.u32 v2, v55  }
0x184: {  	v58 =	vor.u32 v3, v57;
	vm11 =	vgt.f32 v24, v10;
	v10 =	vmax.f32 v10, v24  }
0x185: {  	v11 =	vor.u32 v4, v59;
	v61 =	vor.u32 v5, v60;
	v9 =	vsel vm9, v14, v9  }
0x186: {  	v63 =	vor.u32 v6, v62;
	v8 =	vor.u32 v7, v8;
	v9 =	vsel vm10, v56, v9  }
0x187: {  	vm12 =	vgt.f32 v19, v10;
	v10 =	vmax.f32 v10, v19;
	v9 =	vsel vm11, v58, v9  }
0x188: {  	vm13 =	vgt.f32 v18, v10;
	v10 =	vmax.f32 v10, v18;
	v9 =	vsel vm12, v11, v9  }
0x189: {  	vm14 =	vgt.f32 v15, v10;
	v10 =	vmax.f32 v10, v15;
	v9 =	vsel vm13, v61, v9  }
0x18a: {  	vm15 =	vgt.f32 v12, v10;
	v10 =	vmax.f32 v10, v12;
	v9 =	vsel vm14, v63, v9  }
0x18b: {  	(v2sf) =	vpush v10, $0x0;
	v8 =	vsel vm15, v8, v9  }
0x18c: {  	(v2sf) =	vpush v8, $0x0  }
0x18d: {  	(v2sf) =	vpush v10, $0x1;
	_ =	sdelay $0x1  }
0x18e: {  	(v2sf) =	vpush v8, $0x1  }
0x18f: {  	(v2sf) =	vpush v10, $0x2;
	_ =	sdelay $0x4  }
0x190: {  	(v2sf) =	vpush v8, $0x2  }
0x191: {  	(v2sf) =	vpush v10, $0x3;
	_ =	sdelay $0x3  }
0x192: {  	s17 =	spop (v2sf)  }
0x193: {  	(v2sf) =	vpush v8, $0x3;
	s16 =	spop (v2sf)  }
0x194: {  	(v2sf) =	vpush v10, $0x4;
	s18 =	spop (v2sf)  }
0x195: {  	p0 =	sgt.f32 s18, s17  }
0x196: {  	(v2sf) =	vpush v8, $0x4;
	s19 =	spop (v2sf)  }
0x197: {  	(v2sf) =	vpush v10, $0x5;
	s17 =	smov.u32 @p0 s18;
	s18 =	spop (v2sf)  }
0x198: {  	p1 =	sgt.f32 s18, s17  }
0x199: {  	(v2sf) =	vpush v8, $0x5  }
0x19a: {  	(v2sf) =	vpush v10, $0x6;
	s20 =	simm.s32 @!p1 $0x0  }
0x19b: {  	s20 =	simm.s32 @p1 $0x1  }
0x19c: {  	(v2sf) =	vpush v8, $0x6;
	[smem:$0x7F6] =	sst s20;
	s20 =	spop (v2sf)  }
0x19d: {  	(v2sf) =	vpush v10, $0x7;
	s17 =	smov.u32 @p1 s18;
	s18 =	spop (v2sf)  }
0x19e: {  	p1 =	sgt.f32 s18, s17  }
0x19f: {  	(v2sf) =	vpush v8, $0x7  }
0x1a0: {  	(v2sf) =	vpush v10, $0x8;
	s21 =	simm.s32 @!p1 $0x0  }
0x1a1: {  	s21 =	simm.s32 @p1 $0x1  }
0x1a2: {  	(v2sf) =	vpush v8, $0x8;
	[smem:$0x7F7] =	sst s21;
	s21 =	spop (v2sf)  }
0x1a3: {  	s17 =	smov.u32 @p1 s18;
	(v2sf) =	vpush v10, $0x9;
	s18 =	spop (v2sf)  }
0x1a4: {  	p3 =	sgt.f32 s18, s17  }
0x1a5: {  	(v2sf) =	vpush v8, $0x9;
	s22 =	spop (v2sf)  }
0x1a6: {  	(v2sf) =	vpush v10, $0xA;
	s17 =	smov.u32 @p3 s18;
	s18 =	spop (v2sf)  }
0x1a7: {  	p4 =	sgt.f32 s18, s17  }
0x1a8: {  	s23 =	spop (v2sf);
	(v2sf) =	vpush v8, $0xA  }
0x1a9: {  	s17 =	smov.u32 @p4 s18;
	s18 =	spop (v2sf);
	(v2sf) =	vpush v10, $0xB  }
0x1aa: {  	p5 =	sgt.f32 s18, s17  }
0x1ab: {  	s24 =	spop (v2sf);
	(v2sf) =	vpush v8, $0xB  }
0x1ac: {  	s17 =	smov.u32 @p5 s18;
	s18 =	spop (v2sf);
	(v2sf) =	vpush v10, $0xC  }
0x1ad: {  	p6 =	sgt.f32 s18, s17  }
0x1ae: {  	s25 =	spop (v2sf);
	(v2sf) =	vpush v8, $0xC  }
0x1af: {  	s17 =	smov.u32 @p6 s18;
	s18 =	spop (v2sf);
	(v2sf) =	vpush v10, $0xD  }
0x1b0: {  	s29 =	sld [smem:$0x7F6];
	p1 =	sgt.f32 s18, s17  }
0x1b1: {  	s26 =	spop (v2sf);
	(v2sf) =	vpush v8, $0xD  }
0x1b2: {  	s30 =	sld [smem:$0x7F7];
	s17 =	smov.u32 @p1 s18;
	s18 =	spop (v2sf);
	(v2sf) =	vpush v10, $0xE  }
0x1b3: {  	s16 =	smov.u32 @p0 s19;
	p2 =	seq.s32 s29, $0x1;
	p0 =	sgt.f32 s18, s17  }
0x1b4: {  	s16 =	smov.u32 @p2 s20;
	s19 =	spop (v2sf);
	(v2sf) =	vpush v8, $0xE  }
0x1b5: {  	p2 =	seq.s32 s30, $0x1;
	s17 =	smov.u32 @p0 s18;
	s18 =	spop (v2sf);
	(v2sf) =	vpush v10, $0xF  }
0x1b6: {  	s16 =	smov.u32 @p2 s21;
	p2 =	sgt.f32 s18, s17  }
0x1b7: {  	s20 =	spop (v2sf);
	(v2sf) =	vpush v8, $0xF  }
0x1b8: {  	s17 =	smov.u32 @p2 s18;
	s18 =	spop (v2sf)  }
0x1b9: {  	s16 =	smov.u32 @p3 s22;
	p3 =	sgt.f32 s18, s17  }
0x1ba: {  	s21 =	spop (v2sf)  }
0x1bb: {  	s16 =	smov.u32 @p4 s23;
	s17 =	smov.u32 @p3 s18;
	s18 =	spop (v2sf)  }
0x1bc: {  	s16 =	smov.u32 @p5 s24;
	p4 =	sgt.f32 s18, s17  }
0x1bd: {  	s16 =	smov.u32 @p6 s25;
	s22 =	spop (v2sf)  }
0x1be: {  	s16 =	smov.u32 @p1 s26;
	s17 =	smov.u32 @p4 s18;
	s18 =	spop (v2sf)  }
0x1bf: {  	s16 =	smov.u32 @p0 s19;
	p0 =	sgt.f32 s18, s17  }
0x1c0: {  	s19 =	spop (v2sf)  }
0x1c1: {  	s17 =	smov.u32 @p0 s18;
	s18 =	spop (v2sf)  }
0x1c2: {  	s16 =	smov.u32 @p2 s20;
	p1 =	sgt.f32 s18, s17  }
0x1c3: {  	s16 =	smov.u32 @p3 s21;
	s20 =	spop (v2sf)  }
0x1c4: {  	s16 =	smov.u32 @p4 s22;
	s17 =	smov.u32 @p1 s18;
	s31 =	spop (v2sf)  }
0x1c5: {  	s16 =	smov.u32 @p0 s19;
	p0 =	sgt.f32 s31, s17  }
0x1c6: {  	s16 =	smov.u32 @p1 s20;
	s17 =	spop (v2sf)  }
0x1c7: {  	s15 =	sadd.s32 $0x1, s15;
	s16 =	smov.u32 @p0 s17  }
0x1c8: {  	p0 =	sne.s32 s15, s8;
	v8 =	vmov s16  }
.Ltmp4:
0x1c9: {  	[tilespmem:$0x10180] =	vst v8;
	(pc) =	sbr.rel @p0 .LBB2_1-.Ltmp4, $4  }
0x1ca: {  	[hbm4b:s7+s2] =	stream.linear.scatter [tilespmem:s13], [sflag:$0x2], $0x200, $0x38;
	[tilespmem:$0x10200] =	vst v63  }
0x1cb: {  	_ =	swait.ge [sflag:s14], $0x200  }
0x1cc: {  	[sflag:s14] =	ssyncset.done $0x0  }
0x1cd: {  	[sflag:s14] =	ssyncadd.s32 $0xFFFFFE00  }
0x1ce: {  	_ =	sfence.sel $0x180000  }
0x1cf: {  	[bflag:$0x0] =	sbarrier.arrive $0xFFFF  }
0x1d0: {  	p0 =	sne.s32 s1, $0x0;
	_ =	strace $0x90000047  }
0x1d1: {  	s0 =	sadd.s32 @!p0 $0x100000, s0;
	[bflag:$0x2] =	sbarrier.arrive $0xFFFF  }
0x1d2: {  	[sflag:s0] =	ssyncadd.tile.s32 @!p0 $0x1;
	_ =	shalt  }
.Lfunc_end2:
_tile_overlayer_lowered:
.L_overlay_start_2:
0x1d3: {  	(tag) =	ssettag $0x2  }
0x1d4: {  	s0 =	rddreg [dreg:$0x0];
	s2 =	stileid.u32  }
0x1d5: {  	s1 =	rddreg [dreg:$0x1];
	p0 =	sne.s32 s2, $0x0  }
0x1d6: {  	s3 =	rddreg [dreg:$0x2];
	[bflag:$0x3] =	sbarrier.arrive $0xFFFF;
	s2 =	simm.s32 @!p0 $0x1C02  }
0x1d7: {  	[timem:s3], [sflag:s2] =	dma.local @!p0 [hbm:s0], s1  }
0x1d8: {  	s0 =	simm.s32 @!p0 $0x2  }
0x1d9: {  	_ =	swait.ge @!p0 [sflag:s0], s1  }
0x1da: {  	s1 =	ssub.s32 @!p0 $0x0, s1;
	[sflag:s0] =	ssyncset.done @!p0 $0x0  }
0x1db: {  	[sflag:s0] =	ssyncadd.s32 @!p0 s1  }
0x1dc: {  	[bflag:$0x3] =	sbarrier.arrive $0xFFFF  }
0x1dd: {  	_ =	shalt  }

</sc_bundles>
